<compile_context>
chip_gen: v7x
topology: tpu7x:2x2x1
jax: 0.10.2.dev20260603
libtpu: 0.0.44.dev20260713+nightly
codegen_flags: <defaults>
</compile_context>

<pallas_src>
import functools

import jax
import jax.numpy as jnp
from jax import lax
from jax.experimental import pallas as pl
from jax.experimental.pallas import tpu as pltpu
from jax.experimental.pallas import tpu_sc as plsc

_N = 10000
_E = 320000
_D = 128
_EA = 128

_NC = 2
_NS = 16
_NW = _NC * _NS
_CH = 128
_NCH = 80
_EPW = _CH * _NCH
_EPAD = _NW * _EPW
_TR = 16
_RPS = 624
_RLAST = _N - (_NS - 1) * _RPS


def _per_subcore_slices(s, fn):
    @pl.when(s < _NS - 1)
    def _():
        fn(pl.multiple_of(s * _RPS, 8), _RPS)

    @pl.when(s == _NS - 1)
    def _():
        fn((_NS - 1) * _RPS, _RLAST)


def _per_core_out(c, src_fn, out_a, out_b):
    @pl.when(c == 0)
    def _():
        src_fn(out_a)

    @pl.when(c == 1)
    def _():
        src_fn(out_b)


def _sc_spmm_body(h_hbm, ridx3_hbm, colp_hbm, z128,
                  sa_out, sb_out,
                  ridx_v, cidx_a, cidx_b, rows_a, rows_b,
                  gsem_a, gsem_b, csem_a, csem_b, ssem_a, ssem_b, s_sh):
    c = lax.axis_index("c")
    s = lax.axis_index("s")
    _per_subcore_slices(
        s, lambda off, sz: pltpu.sync_copy(z128.at[pl.ds(off, sz)],
                                           s_sh.at[pl.ds(off, sz)]))
    w = c * _NS + s
    pltpu.sync_copy(ridx3_hbm.at[w], ridx_v)
    plsc.subcore_barrier()

    base_w = w * _EPW

    def pair(j, carry):
        a = 2 * j
        da = pltpu.async_copy(h_hbm.at[ridx_v.at[a]], rows_a, gsem_a)
        dca = pltpu.async_copy(
            colp_hbm.at[pl.ds(base_w + a * _CH, _CH)], cidx_a, csem_a)
        db = pltpu.async_copy(h_hbm.at[ridx_v.at[a + 1]], rows_b, gsem_b)
        dcb = pltpu.async_copy(
            colp_hbm.at[pl.ds(base_w + (a + 1) * _CH, _CH)], cidx_b, csem_b)
        da.wait()
        dca.wait()
        pltpu.sync_copy(rows_a, s_sh.at[cidx_a], add=True)
        db.wait()
        dcb.wait()
        pltpu.sync_copy(rows_b, s_sh.at[cidx_b], add=True)
        return carry

    lax.fori_loop(0, _NCH // 2, pair, 0)
    plsc.subcore_barrier()

    def _out(off, sz):
        _per_core_out(
            c, lambda o: pltpu.sync_copy(s_sh.at[pl.ds(off, sz)],
                                         o.at[pl.ds(off, sz)]),
            sa_out, sb_out)

    _per_subcore_slices(s, _out)


def _sc_agg_body(ea_hbm, ridx3_hbm, z128,
                 agga_out, aggb_out,
                 ridx_v, ea_a, ea_b, lsem_a, lsem_b, ssem_a, ssem_b, agg_sh):
    c = lax.axis_index("c")
    s = lax.axis_index("s")
    _per_subcore_slices(
        s, lambda off, sz: pltpu.sync_copy(z128.at[pl.ds(off, sz)],
                                           agg_sh.at[pl.ds(off, sz)]))
    w = c * _NS + s
    pltpu.sync_copy(ridx3_hbm.at[w], ridx_v)
    plsc.subcore_barrier()

    base_w = w * _EPW

    def pair(j, carry):
        a = 2 * j
        da = pltpu.async_copy(
            ea_hbm.at[pl.ds(base_w + a * _CH, _CH)], ea_a, lsem_a)
        db = pltpu.async_copy(
            ea_hbm.at[pl.ds(base_w + (a + 1) * _CH, _CH)], ea_b, lsem_b)
        da.wait()
        pltpu.sync_copy(ea_a, agg_sh.at[ridx_v.at[a]], add=True)
        db.wait()
        pltpu.sync_copy(ea_b, agg_sh.at[ridx_v.at[a + 1]], add=True)
        return carry

    lax.fori_loop(0, _NCH // 2, pair, 0)
    plsc.subcore_barrier()

    def _out(off, sz):
        _per_core_out(
            c, lambda o: pltpu.sync_copy(agg_sh.at[pl.ds(off, sz)],
                                         o.at[pl.ds(off, sz)]),
            agga_out, aggb_out)

    _per_subcore_slices(s, _out)


_f32 = jnp.float32
_nd = jax.ShapeDtypeStruct((_N, _D), _f32)
_na = jax.ShapeDtypeStruct((_N, _EA), _f32)


@functools.cache
def _build_sc_kernels():
    mesh = plsc.VectorSubcoreMesh(core_axis_name="c", subcore_axis_name="s")
    sc_spmm = pl.kernel(
        _sc_spmm_body,
        out_type=(_nd, _nd),
        mesh=mesh,
        scratch_types=[
            pltpu.VMEM((_NCH, _CH), jnp.int32),
            pltpu.VMEM((_CH,), jnp.int32),
            pltpu.VMEM((_CH,), jnp.int32),
            pltpu.VMEM((_CH, _D), jnp.float32),
            pltpu.VMEM((_CH, _D), jnp.float32),
            pltpu.SemaphoreType.DMA,
            pltpu.SemaphoreType.DMA,
            pltpu.SemaphoreType.DMA,
            pltpu.SemaphoreType.DMA,
            pltpu.SemaphoreType.DMA,
            pltpu.SemaphoreType.DMA,
            pltpu.VMEM_SHARED((_N + _TR, _D), jnp.float32),
        ],
    )
    sc_agg = pl.kernel(
        _sc_agg_body,
        out_type=(_na, _na),
        mesh=mesh,
        scratch_types=[
            pltpu.VMEM((_NCH, _CH), jnp.int32),
            pltpu.VMEM((_CH, _EA), jnp.float32),
            pltpu.VMEM((_CH, _EA), jnp.float32),
            pltpu.SemaphoreType.DMA,
            pltpu.SemaphoreType.DMA,
            pltpu.SemaphoreType.DMA,
            pltpu.SemaphoreType.DMA,
            pltpu.VMEM_SHARED((_N, _EA), jnp.float32),
        ],
    )
    return sc_spmm, sc_agg


def _bn(y, g, b, eps=1e-5):
    m = jnp.mean(y, axis=0, keepdims=True)
    v = jnp.mean((y - m) * (y - m), axis=0, keepdims=True)
    return g * (y - m) * lax.rsqrt(v + eps) + b


def _dot(a, w):
    return jnp.dot(a, w, preferred_element_type=jnp.float32)


def _tc_pre_body(x_ref, Wnb_ref, bnb_ref, Wn_ref, bn_ref, gn_ref, btn_ref,
                 h_ref, xn_ref):
    x = x_ref[...]
    h_ref[...] = _dot(x, Wnb_ref[...]) + bnb_ref[...]
    xn_ref[...] = _bn(_dot(x, Wn_ref[...]) + bn_ref[...], gn_ref[...], btn_ref[...])


def _tc_layer0_body(sa_ref, sb_ref, agga_ref, aggb_ref, xn0_ref,
                    Wea_ref, Wm1_ref, bm1_ref, Wm2_ref, bm2_ref,
                    ge_ref, bte_ref, gnb_ref, btnb_ref,
                    gm1_ref, btm1_ref, gm2_ref, btm2_ref,
                    ea_ref, x1_ref):
    msg = sa_ref[...] + sb_ref[...]
    agg = agga_ref[...] + aggb_ref[...]
    ea_agg = _bn(_dot(agg, Wea_ref[...]), ge_ref[...], bte_ref[...])
    ea_ref[...] = ea_agg
    out = jnp.maximum(
        xn0_ref[...] + _bn(msg, gnb_ref[...], btnb_ref[...]) + ea_agg, 0.0)
    out = _bn(_dot(out, Wm1_ref[...]) + bm1_ref[...], gm1_ref[...], btm1_ref[...])
    out = jnp.maximum(out, 0.0)
    out = _bn(_dot(out, Wm2_ref[...]) + bm2_ref[...], gm2_ref[...], btm2_ref[...])
    x1_ref[...] = jnp.maximum(out, 0.0)


def _tc_layer1_body(sa_ref, sb_ref, xn1_ref, ea_ref,
                    Wm1_ref, bm1_ref, Wm2_ref, bm2_ref,
                    gnb_ref, btnb_ref, gm1_ref, btm1_ref, gm2_ref, btm2_ref,
                    x2_ref):
    msg = sa_ref[...] + sb_ref[...]
    out = jnp.maximum(
        xn1_ref[...] + _bn(msg, gnb_ref[...], btnb_ref[...]) + ea_ref[...], 0.0)
    out = _bn(_dot(out, Wm1_ref[...]) + bm1_ref[...], gm1_ref[...], btm1_ref[...])
    out = jnp.maximum(out, 0.0)
    out = _bn(_dot(out, Wm2_ref[...]) + bm2_ref[...], gm2_ref[...], btm2_ref[...])
    x2_ref[...] = jnp.maximum(out, 0.0)


_tc_pre = pl.pallas_call(_tc_pre_body, out_shape=(_nd, _nd))
_tc_layer0 = pl.pallas_call(_tc_layer0_body, out_shape=(_nd, _nd))
_tc_layer1 = pl.pallas_call(_tc_layer1_body, out_shape=_nd)


def kernel(node_attr, edge_index, edge_attr,
           W_node0, b_node0, W_node1, b_node1,
           W_nb0, b_nb0, W_nb1, b_nb1,
           W_edge, b_edge, W_m1, b_m1, W_m2, b_m2,
           g_bn_node, beta_bn_node, g_bn_edge, beta_bn_edge,
           g_bn_nb, beta_bn_nb, g_bn_m1, beta_bn_m1,
           g_bn_m2, beta_bn_m2):
    pad = _EPAD - _E
    rowp = jnp.concatenate([edge_index[0], jnp.arange(pad, dtype=jnp.int32) % _N])
    colp = jnp.concatenate(
        [edge_index[1], _N + (jnp.arange(pad, dtype=jnp.int32) % _TR)])
    row3 = rowp.reshape(_NW, _NCH, _CH)
    ea_aug = jnp.concatenate(
        [jnp.concatenate([edge_attr, jnp.ones((_E, 1), _f32),
                          jnp.zeros((_E, _EA - 17), _f32)], axis=1),
         jnp.zeros((pad, _EA), _f32)], axis=0)
    W_ea = jnp.concatenate(
        [W_edge, b_edge[None, :], jnp.zeros((_EA - 17, _D), _f32)], axis=0)
    z128 = jnp.zeros((_N, _EA), _f32)
    r = lambda v: v[None, :]

    h0, xn0 = _tc_pre(node_attr, W_nb0, r(b_nb0), W_node0, r(b_node0),
                      r(g_bn_node), r(beta_bn_node))

    sc_spmm, sc_agg = _build_sc_kernels()
    z128s = z128 + ea_aug[:1, :] * 0.0
    s0a, s0b = sc_spmm(h0, row3, colp, z128s)
    z128_dep = z128 + s0a[:, :1] * 0.0
    agga, aggb = sc_agg(ea_aug, row3, z128_dep)

    ea_agg, x1 = _tc_layer0(
        s0a, s0b, agga, aggb, xn0,
        W_ea, W_m1, r(b_m1), W_m2, r(b_m2),
        r(g_bn_edge), r(beta_bn_edge),
        r(g_bn_nb), r(beta_bn_nb), r(g_bn_m1), r(beta_bn_m1),
        r(g_bn_m2), r(beta_bn_m2))

    h1, xn1 = _tc_pre(x1, W_nb1, r(b_nb1), W_node1, r(b_node1),
                      r(g_bn_node), r(beta_bn_node))

    s1a, s1b = sc_spmm(h1, row3, colp, z128)

    x2 = _tc_layer1(
        s1a, s1b, xn1, ea_agg,
        W_m1, r(b_m1), W_m2, r(b_m2),
        r(g_bn_nb), r(beta_bn_nb), r(g_bn_m1), r(beta_bn_m1),
        r(g_bn_m2), r(beta_bn_m2))
    return x2

# --- scband reference (transcript-rebuilt; emitter-appended) ---
"""Pipeline reference for scband-gnn-89885075570712 (READ-ONLY COPY).

The authoritative reference and input builder live on the scoring server;
editing this copy changes nothing except your own understanding.
"""

import jax, jax.numpy as jnp
import numpy as np

N = 10000
E = 320000
NODE_DIM = 128
EDGE_DIM = 16
EMBED = 128
LAYERS = 2

def _bn(x, g, b, eps=1e-5):
    m = jnp.mean(x, axis=0)
    v = jnp.var(x, axis=0)
    return g * (x - m) * jax.lax.rsqrt(v + eps) + b

def _lin_init(key, fan_in, fan_out):
    k1, k2 = jax.random.split(key)
    bound = 1.0 / np.sqrt(fan_in)
    W = jax.random.uniform(k1, (fan_in, fan_out), minval=-bound, maxval=bound, dtype=jnp.float32)
    b = jax.random.uniform(k2, (fan_out,), minval=-bound, maxval=bound, dtype=jnp.float32)
    return W, b

def setup_inputs(seed: int = 0):
    key = jax.random.key(seed)
    ks = jax.random.split(key, 16)
    inp = {}
    inp['node_attr'] = jax.random.normal(ks[0], (N, NODE_DIM), dtype=jnp.float32)
    inp['edge_index'] = jax.random.randint(ks[1], (2, E), 0, N, dtype=jnp.int32)
    inp['edge_attr'] = jax.random.normal(ks[2], (E, EDGE_DIM), dtype=jnp.float32)
    inp['W_node0'], inp['b_node0'] = _lin_init(ks[3], NODE_DIM, EMBED)
    inp['W_node1'], inp['b_node1'] = _lin_init(ks[4], EMBED, EMBED)
    inp['W_nb0'], inp['b_nb0'] = _lin_init(ks[5], NODE_DIM, EMBED)
    inp['W_nb1'], inp['b_nb1'] = _lin_init(ks[6], EMBED, EMBED)
    inp['W_edge'], inp['b_edge'] = _lin_init(ks[7], EDGE_DIM, EMBED)
    inp['W_m1'], inp['b_m1'] = _lin_init(ks[8], EMBED, EMBED)
    inp['W_m2'], inp['b_m2'] = _lin_init(ks[9], EMBED, EMBED)
    for name in ['bn_node', 'bn_edge', 'bn_nb', 'bn_m1', 'bn_m2']:
        inp['g_' + name] = jnp.ones((EMBED,), dtype=jnp.float32)
        inp['beta_' + name] = jnp.zeros((EMBED,), dtype=jnp.float32)
    return inp

def _forward(node_attr, edge_index, edge_attr, W_node0, b_node0, W_node1, b_node1, W_nb0, b_nb0, W_nb1, b_nb1, W_edge, b_edge, W_m1, b_m1, W_m2, b_m2, g_bn_node, beta_bn_node, g_bn_edge, beta_bn_edge, g_bn_nb, beta_bn_nb, g_bn_m1, beta_bn_m1, g_bn_m2, beta_bn_m2):
    # PyG semantics: row = edge_index[0] (source j), col = edge_index[1] (target i).
    # EdgeConv.forward scatter-adds lin_edge(edge_attr) at row; propagate aggregates h_j = h[row] at col.
    row = edge_index[0]
    col = edge_index[1]
    n = node_attr.shape[0]
    x = node_attr
    for layer in range(LAYERS):
        Wn = W_node0 if layer == 0 else W_node1
        bn_b = b_node0 if layer == 0 else b_node1
        Wnb = W_nb0 if layer == 0 else W_nb1
        bnb_b = b_nb0 if layer == 0 else b_nb1
        ea = edge_attr @ W_edge + b_edge
        ea_agg = jnp.zeros((n, EMBED), dtype=jnp.float32).at[row].add(ea)
        ea_agg = _bn(ea_agg, g_bn_edge, beta_bn_edge)
        h = x @ Wnb + bnb_b
        xn = _bn(x @ Wn + bn_b, g_bn_node, beta_bn_node)
        msg = jnp.zeros((n, EMBED), dtype=jnp.float32).at[col].add(h[row])
        out = xn + _bn(msg, g_bn_nb, beta_bn_nb) + ea_agg
        out = jax.nn.relu(out)
        out = _bn(out @ W_m1 + b_m1, g_bn_m1, beta_bn_m1)
        out = jax.nn.relu(out)
        out = _bn(out @ W_m2 + b_m2, g_bn_m2, beta_bn_m2)
        x = jax.nn.relu(out)
    return x

def reference(node_attr, edge_index, edge_attr, W_node0, b_node0, W_node1, b_node1, W_nb0, b_nb0, W_nb1, b_nb1, W_edge, b_edge, W_m1, b_m1, W_m2, b_m2, g_bn_node, beta_bn_node, g_bn_edge, beta_bn_edge, g_bn_nb, beta_bn_nb, g_bn_m1, beta_bn_m1, g_bn_m2, beta_bn_m2):
    return _forward(node_attr, edge_index, edge_attr, W_node0, b_node0, W_node1, b_node1, W_nb0, b_nb0, W_nb1, b_nb1, W_edge, b_edge, W_m1, b_m1, W_m2, b_m2, g_bn_node, beta_bn_node, g_bn_edge, beta_bn_edge, g_bn_nb, beta_bn_nb, g_bn_m1, beta_bn_m1, g_bn_m2, beta_bn_m2)

if __name__ == "__main__":
    import jax
    _d = setup_inputs()
    print(jax.jit(kernel)(*tuple(_d.values())))

</pallas_src>

<mosaic_0001>
#map = affine_map<(d0, d1) -> (0, 0)>
#map1 = affine_map<(d0, d1) -> (0, 0, 0)>
module attributes {stable_mosaic.version = 14 : i64} {
  func.func @_sc_agg_body(%arg0: i32, %arg1: i32, %arg2: memref<327680x128xf32, #tpu.memory_space<hbm>>, %arg3: memref<32x80x128xi32, #tpu.memory_space<hbm>>, %arg4: memref<10000x128xf32, #tpu.memory_space<hbm>>, %arg5: memref<10000x128xf32, #tpu.memory_space<hbm>>, %arg6: memref<10000x128xf32, #tpu.memory_space<hbm>>, %arg7: memref<80x128xi32, #tpu.memory_space<vmem>>, %arg8: memref<128x128xf32, #tpu.memory_space<vmem>>, %arg9: memref<128x128xf32, #tpu.memory_space<vmem>>, %arg10: memref<!tpu.dma_semaphore, #tpu.memory_space<semaphore_mem>>, %arg11: memref<!tpu.dma_semaphore, #tpu.memory_space<semaphore_mem>>, %arg12: memref<!tpu.dma_semaphore, #tpu.memory_space<semaphore_mem>>, %arg13: memref<!tpu.dma_semaphore, #tpu.memory_space<semaphore_mem>>, %arg14: memref<10000x128xf32, #tpu.memory_space<vmem_shared>>) attributes {dimension_semantics = [#tpu.dimension_semantics<core_parallel>, #tpu.dimension_semantics<subcore_parallel>], iteration_bounds = array<i64: 2, 16>, scalar_prefetch = 0 : i64, scratch_operands = 8 : i64, tpu.core_type = #tpu.core_type<sc_vector_subcore>, window_params = [{transform_indices = #map}, {transform_indices = #map1}, {transform_indices = #map}, {transform_indices = #map}, {transform_indices = #map}]} {
    %lt3A = arith.constant 15 : i32
    %lt3A_0 = arith.cmpi slt, %arg1, %lt3A : i32
    %convert_element_type3A = arith.extui %lt3A_0 : i1 to i32
    %cond3A = arith.constant 0 : i32
    %cond3A_1 = arith.cmpi ne, %convert_element_type3A, %cond3A : i32
    scf.if %cond3A_1 {
      %mul3A_25 = arith.constant 624 : i32
      %mul3A_26 = arith.muli %arg1, %mul3A_25 : i32
      %multiple_of3A = tpu.assume_multiple %mul3A_26, 8 : i32
      "tpu.region"() ({
        %run_scoped3A = tpu.sem_alloc : memref<!tpu.dma_semaphore, #tpu.memory_space<semaphore_mem>>
        %dma_start3A = arith.constant 0 : i32
        %dma_start3A_27 = tpu.memref_slice %arg14[%multiple_of3A, %dma_start3A] : memref<10000x128xf32, #tpu.memory_space<vmem_shared>> -> memref<624x128xf32, #tpu.memory_space<vmem_shared>>
        %dma_start3A_28 = arith.constant 0 : i32
        %dma_start3A_29 = tpu.memref_slice %arg4[%multiple_of3A, %dma_start3A_28] : memref<10000x128xf32, #tpu.memory_space<hbm>> -> memref<624x128xf32, #tpu.memory_space<hbm>>
        tpu.enqueue_dma source(%dma_start3A_29 : memref<624x128xf32, #tpu.memory_space<hbm>>) target(%dma_start3A_27 : memref<624x128xf32, #tpu.memory_space<vmem_shared>>) target_semaphore(%run_scoped3A : memref<!tpu.dma_semaphore, #tpu.memory_space<semaphore_mem>>)
        %dma_wait3A = arith.constant 0 : i32
        %dma_wait3A_30 = tpu.memref_slice %arg14[%multiple_of3A, %dma_wait3A] : memref<10000x128xf32, #tpu.memory_space<vmem_shared>> -> memref<624x128xf32, #tpu.memory_space<vmem_shared>>
        %dma_wait3A_31 = arith.constant 0 : i32
        %dma_wait3A_32 = tpu.memref_slice %arg4[%multiple_of3A, %dma_wait3A_31] : memref<10000x128xf32, #tpu.memory_space<hbm>> -> memref<624x128xf32, #tpu.memory_space<hbm>>
        tpu.wait_dma2 semaphore(%run_scoped3A : memref<!tpu.dma_semaphore, #tpu.memory_space<semaphore_mem>>) src(%dma_wait3A_32 : memref<624x128xf32, #tpu.memory_space<hbm>>) dst(%dma_wait3A_30 : memref<624x128xf32, #tpu.memory_space<vmem_shared>>)
        tpu.yield
      }) : () -> ()
    } else {
    }
    %eq3A = arith.constant 15 : i32
    %eq3A_2 = arith.cmpi eq, %arg1, %eq3A : i32
    %convert_element_type3A_3 = arith.extui %eq3A_2 : i1 to i32
    %cond3A_4 = arith.constant 0 : i32
    %cond3A_5 = arith.cmpi ne, %convert_element_type3A_3, %cond3A_4 : i32
    scf.if %cond3A_5 {
      "tpu.region"() ({
        %run_scoped3A = tpu.sem_alloc : memref<!tpu.dma_semaphore, #tpu.memory_space<semaphore_mem>>
        %dma_start3A = arith.constant 9360 : i32
        %dma_start3A_25 = arith.constant 0 : i32
        %dma_start3A_26 = tpu.memref_slice %arg14[%dma_start3A, %dma_start3A_25] : memref<10000x128xf32, #tpu.memory_space<vmem_shared>> -> memref<640x128xf32, #tpu.memory_space<vmem_shared>>
        %dma_start3A_27 = arith.constant 9360 : i32
        %dma_start3A_28 = arith.constant 0 : i32
        %dma_start3A_29 = tpu.memref_slice %arg4[%dma_start3A_27, %dma_start3A_28] : memref<10000x128xf32, #tpu.memory_space<hbm>> -> memref<640x128xf32, #tpu.memory_space<hbm>>
        tpu.enqueue_dma source(%dma_start3A_29 : memref<640x128xf32, #tpu.memory_space<hbm>>) target(%dma_start3A_26 : memref<640x128xf32, #tpu.memory_space<vmem_shared>>) target_semaphore(%run_scoped3A : memref<!tpu.dma_semaphore, #tpu.memory_space<semaphore_mem>>)
        %dma_wait3A = arith.constant 9360 : i32
        %dma_wait3A_30 = arith.constant 0 : i32
        %dma_wait3A_31 = tpu.memref_slice %arg14[%dma_wait3A, %dma_wait3A_30] : memref<10000x128xf32, #tpu.memory_space<vmem_shared>> -> memref<640x128xf32, #tpu.memory_space<vmem_shared>>
        %dma_wait3A_32 = arith.constant 9360 : i32
        %dma_wait3A_33 = arith.constant 0 : i32
        %dma_wait3A_34 = tpu.memref_slice %arg4[%dma_wait3A_32, %dma_wait3A_33] : memref<10000x128xf32, #tpu.memory_space<hbm>> -> memref<640x128xf32, #tpu.memory_space<hbm>>
        tpu.wait_dma2 semaphore(%run_scoped3A : memref<!tpu.dma_semaphore, #tpu.memory_space<semaphore_mem>>) src(%dma_wait3A_34 : memref<640x128xf32, #tpu.memory_space<hbm>>) dst(%dma_wait3A_31 : memref<640x128xf32, #tpu.memory_space<vmem_shared>>)
        tpu.yield
      }) : () -> ()
    } else {
    }
    %mul3A = arith.constant 16 : i32
    %mul3A_6 = arith.muli %arg0, %mul3A : i32
    %add3A = arith.addi %mul3A_6, %arg1 : i32
    "tpu.region"() ({
      %run_scoped3A = tpu.sem_alloc : memref<!tpu.dma_semaphore, #tpu.memory_space<semaphore_mem>>
      %dma_start3A = arith.constant 0 : i32
      %dma_start3A_25 = arith.constant 0 : i32
      %dma_start3A_26 = tpu.memref_slice %arg3[%add3A, %dma_start3A, %dma_start3A_25] : memref<32x80x128xi32, #tpu.memory_space<hbm>> -> memref<1x80x128xi32, #tpu.memory_space<hbm>>
      %dma_start3A_27 = tpu.memref_squeeze %dma_start3A_26 : memref<1x80x128xi32, #tpu.memory_space<hbm>> -> memref<80x128xi32, #tpu.memory_space<hbm>>
      %dma_start3A_28 = arith.constant 0 : i32
      %dma_start3A_29 = arith.constant 0 : i32
      %dma_start3A_30 = tpu.memref_slice %arg3[%add3A, %dma_start3A_28, %dma_start3A_29] : memref<32x80x128xi32, #tpu.memory_space<hbm>> -> memref<1x80x128xi32, #tpu.memory_space<hbm>>
      %dma_start3A_31 = tpu.memref_squeeze %dma_start3A_30 : memref<1x80x128xi32, #tpu.memory_space<hbm>> -> memref<80x128xi32, #tpu.memory_space<hbm>>
      tpu.enqueue_dma source(%dma_start3A_31 : memref<80x128xi32, #tpu.memory_space<hbm>>) target(%arg7 : memref<80x128xi32, #tpu.memory_space<vmem>>) target_semaphore(%run_scoped3A : memref<!tpu.dma_semaphore, #tpu.memory_space<semaphore_mem>>)
      %dma_wait3A = arith.constant 0 : i32
      %dma_wait3A_32 = arith.constant 0 : i32
      %dma_wait3A_33 = tpu.memref_slice %arg3[%add3A, %dma_wait3A, %dma_wait3A_32] : memref<32x80x128xi32, #tpu.memory_space<hbm>> -> memref<1x80x128xi32, #tpu.memory_space<hbm>>
      %dma_wait3A_34 = tpu.memref_squeeze %dma_wait3A_33 : memref<1x80x128xi32, #tpu.memory_space<hbm>> -> memref<80x128xi32, #tpu.memory_space<hbm>>
      %dma_wait3A_35 = arith.constant 0 : i32
      %dma_wait3A_36 = arith.constant 0 : i32
      %dma_wait3A_37 = tpu.memref_slice %arg3[%add3A, %dma_wait3A_35, %dma_wait3A_36] : memref<32x80x128xi32, #tpu.memory_space<hbm>> -> memref<1x80x128xi32, #tpu.memory_space<hbm>>
      %dma_wait3A_38 = tpu.memref_squeeze %dma_wait3A_37 : memref<1x80x128xi32, #tpu.memory_space<hbm>> -> memref<80x128xi32, #tpu.memory_space<hbm>>
      tpu.wait_dma2 semaphore(%run_scoped3A : memref<!tpu.dma_semaphore, #tpu.memory_space<semaphore_mem>>) src(%dma_wait3A_38 : memref<80x128xi32, #tpu.memory_space<hbm>>) dst(%arg7 : memref<80x128xi32, #tpu.memory_space<vmem>>)
      tpu.yield
    }) : () -> ()
    %barrier3A = arith.constant 0 : index
    tpu.barrier barrier_id(%barrier3A)
    %mul3A_7 = arith.constant 10240 : i32
    %mul3A_8 = arith.muli %add3A, %mul3A_7 : i32
    %scan3A = arith.constant 0 : i32
    %scan3A_9 = arith.constant 0 : i32
    %scan3A_10 = arith.constant 40 : i32
    %scan3A_11 = arith.addi %scan3A_9, %scan3A_10 : i32
    %scan3A_12 = arith.constant 1 : i32
    scf.for %scan3A_25 = %scan3A_9 to %scan3A_11 step %scan3A_12  : i32 {
      %mul3A_26 = arith.constant 2 : i32
      %mul3A_27 = arith.muli %mul3A_26, %scan3A_25 : i32
      %mul3A_28 = arith.constant 128 : i32
      %mul3A_29 = arith.muli %mul3A_27, %mul3A_28 : i32
      %add3A_30 = arith.addi %mul3A_8, %mul3A_29 : i32
      %dma_start3A = arith.constant 0 : i32
      %dma_start3A_31 = tpu.memref_slice %arg2[%add3A_30, %dma_start3A] : memref<327680x128xf32, #tpu.memory_space<hbm>> -> memref<128x128xf32, #tpu.memory_space<hbm>>
      %dma_start3A_32 = arith.constant 0 : i32
      %dma_start3A_33 = tpu.memref_slice %arg2[%add3A_30, %dma_start3A_32] : memref<327680x128xf32, #tpu.memory_space<hbm>> -> memref<128x128xf32, #tpu.memory_space<hbm>>
      tpu.enqueue_dma source(%dma_start3A_33 : memref<128x128xf32, #tpu.memory_space<hbm>>) target(%arg8 : memref<128x128xf32, #tpu.memory_space<vmem>>) target_semaphore(%arg10 : memref<!tpu.dma_semaphore, #tpu.memory_space<semaphore_mem>>)
      %add3A_34 = arith.constant 1 : i32
      %add3A_35 = arith.addi %mul3A_27, %add3A_34 : i32
      %mul3A_36 = arith.constant 128 : i32
      %mul3A_37 = arith.muli %add3A_35, %mul3A_36 : i32
      %add3A_38 = arith.addi %mul3A_8, %mul3A_37 : i32
      %dma_start3A_39 = arith.constant 0 : i32
      %dma_start3A_40 = tpu.memref_slice %arg2[%add3A_38, %dma_start3A_39] : memref<327680x128xf32, #tpu.memory_space<hbm>> -> memref<128x128xf32, #tpu.memory_space<hbm>>
      %dma_start3A_41 = arith.constant 0 : i32
      %dma_start3A_42 = tpu.memref_slice %arg2[%add3A_38, %dma_start3A_41] : memref<327680x128xf32, #tpu.memory_space<hbm>> -> memref<128x128xf32, #tpu.memory_space<hbm>>
      tpu.enqueue_dma source(%dma_start3A_42 : memref<128x128xf32, #tpu.memory_space<hbm>>) target(%arg9 : memref<128x128xf32, #tpu.memory_space<vmem>>) target_semaphore(%arg11 : memref<!tpu.dma_semaphore, #tpu.memory_space<semaphore_mem>>)
      %dma_wait3A = arith.constant 0 : i32
      %dma_wait3A_43 = tpu.memref_slice %arg2[%add3A_30, %dma_wait3A] : memref<327680x128xf32, #tpu.memory_space<hbm>> -> memref<128x128xf32, #tpu.memory_space<hbm>>
      %dma_wait3A_44 = arith.constant 0 : i32
      %dma_wait3A_45 = tpu.memref_slice %arg2[%add3A_30, %dma_wait3A_44] : memref<327680x128xf32, #tpu.memory_space<hbm>> -> memref<128x128xf32, #tpu.memory_space<hbm>>
      tpu.wait_dma2 semaphore(%arg10 : memref<!tpu.dma_semaphore, #tpu.memory_space<semaphore_mem>>) src(%dma_wait3A_45 : memref<128x128xf32, #tpu.memory_space<hbm>>) dst(%arg8 : memref<128x128xf32, #tpu.memory_space<vmem>>)
      "tpu.region"() ({
        %run_scoped3A = tpu.sem_alloc : memref<!tpu.dma_semaphore, #tpu.memory_space<semaphore_mem>>
        %dma_start3A_52 = arith.constant 0 : i32
        %dma_start3A_53 = tpu.memref_slice %arg7[%mul3A_27, %dma_start3A_52] : memref<80x128xi32, #tpu.memory_space<vmem>> -> memref<1x128xi32, #tpu.memory_space<vmem>>
        %dma_start3A_54 = tpu.memref_squeeze %dma_start3A_53 : memref<1x128xi32, #tpu.memory_space<vmem>> -> memref<128xi32, #tpu.memory_space<vmem>>
        %dma_start3A_55 = arith.constant 0 : i32
        %dma_start3A_56 = arith.constant 0 : i32
        %dma_start3A_57 = tpu.memref_slice %arg14[%dma_start3A_55, %dma_start3A_56] : memref<10000x128xf32, #tpu.memory_space<vmem_shared>> -> memref<10000x128xf32, #tpu.memory_space<vmem_shared>>
        tpu.enqueue_indirect_dma source(%arg8 : memref<128x128xf32, #tpu.memory_space<vmem>>) target(%dma_start3A_57 : memref<10000x128xf32, #tpu.memory_space<vmem_shared>>) offsets(%dma_start3A_54 : memref<128xi32, #tpu.memory_space<vmem>>) semaphore(%run_scoped3A : memref<!tpu.dma_semaphore, #tpu.memory_space<semaphore_mem>>) {add = true}
        %dma_wait3A_58 = arith.constant 0 : i32
        %dma_wait3A_59 = tpu.memref_slice %arg7[%mul3A_27, %dma_wait3A_58] : memref<80x128xi32, #tpu.memory_space<vmem>> -> memref<1x128xi32, #tpu.memory_space<vmem>>
        %dma_wait3A_60 = tpu.memref_squeeze %dma_wait3A_59 : memref<1x128xi32, #tpu.memory_space<vmem>> -> memref<128xi32, #tpu.memory_space<vmem>>
        %dma_wait3A_61 = arith.constant 0 : i32
        %dma_wait3A_62 = arith.constant 0 : i32
        %dma_wait3A_63 = tpu.memref_slice %arg14[%dma_wait3A_61, %dma_wait3A_62] : memref<10000x128xf32, #tpu.memory_space<vmem_shared>> -> memref<10000x128xf32, #tpu.memory_space<vmem_shared>>
        tpu.wait_indirect_dma semaphore(%run_scoped3A : memref<!tpu.dma_semaphore, #tpu.memory_space<semaphore_mem>>) src(%arg8 : memref<128x128xf32, #tpu.memory_space<vmem>>) dst(%dma_wait3A_63 : memref<10000x128xf32, #tpu.memory_space<vmem_shared>>)
        tpu.yield
      }) : () -> ()
      %dma_wait3A_46 = arith.constant 0 : i32
      %dma_wait3A_47 = tpu.memref_slice %arg2[%add3A_38, %dma_wait3A_46] : memref<327680x128xf32, #tpu.memory_space<hbm>> -> memref<128x128xf32, #tpu.memory_space<hbm>>
      %dma_wait3A_48 = arith.constant 0 : i32
      %dma_wait3A_49 = tpu.memref_slice %arg2[%add3A_38, %dma_wait3A_48] : memref<327680x128xf32, #tpu.memory_space<hbm>> -> memref<128x128xf32, #tpu.memory_space<hbm>>
      tpu.wait_dma2 semaphore(%arg11 : memref<!tpu.dma_semaphore, #tpu.memory_space<semaphore_mem>>) src(%dma_wait3A_49 : memref<128x128xf32, #tpu.memory_space<hbm>>) dst(%arg9 : memref<128x128xf32, #tpu.memory_space<vmem>>)
      %add3A_50 = arith.constant 1 : i32
      %add3A_51 = arith.addi %mul3A_27, %add3A_50 : i32
      "tpu.region"() ({
        %run_scoped3A = tpu.sem_alloc : memref<!tpu.dma_semaphore, #tpu.memory_space<semaphore_mem>>
        %dma_start3A_52 = arith.constant 0 : i32
        %dma_start3A_53 = tpu.memref_slice %arg7[%add3A_51, %dma_start3A_52] : memref<80x128xi32, #tpu.memory_space<vmem>> -> memref<1x128xi32, #tpu.memory_space<vmem>>
        %dma_start3A_54 = tpu.memref_squeeze %dma_start3A_53 : memref<1x128xi32, #tpu.memory_space<vmem>> -> memref<128xi32, #tpu.memory_space<vmem>>
        %dma_start3A_55 = arith.constant 0 : i32
        %dma_start3A_56 = arith.constant 0 : i32
        %dma_start3A_57 = tpu.memref_slice %arg14[%dma_start3A_55, %dma_start3A_56] : memref<10000x128xf32, #tpu.memory_space<vmem_shared>> -> memref<10000x128xf32, #tpu.memory_space<vmem_shared>>
        tpu.enqueue_indirect_dma source(%arg9 : memref<128x128xf32, #tpu.memory_space<vmem>>) target(%dma_start3A_57 : memref<10000x128xf32, #tpu.memory_space<vmem_shared>>) offsets(%dma_start3A_54 : memref<128xi32, #tpu.memory_space<vmem>>) semaphore(%run_scoped3A : memref<!tpu.dma_semaphore, #tpu.memory_space<semaphore_mem>>) {add = true}
        %dma_wait3A_58 = arith.constant 0 : i32
        %dma_wait3A_59 = tpu.memref_slice %arg7[%add3A_51, %dma_wait3A_58] : memref<80x128xi32, #tpu.memory_space<vmem>> -> memref<1x128xi32, #tpu.memory_space<vmem>>
        %dma_wait3A_60 = tpu.memref_squeeze %dma_wait3A_59 : memref<1x128xi32, #tpu.memory_space<vmem>> -> memref<128xi32, #tpu.memory_space<vmem>>
        %dma_wait3A_61 = arith.constant 0 : i32
        %dma_wait3A_62 = arith.constant 0 : i32
        %dma_wait3A_63 = tpu.memref_slice %arg14[%dma_wait3A_61, %dma_wait3A_62] : memref<10000x128xf32, #tpu.memory_space<vmem_shared>> -> memref<10000x128xf32, #tpu.memory_space<vmem_shared>>
        tpu.wait_indirect_dma semaphore(%run_scoped3A : memref<!tpu.dma_semaphore, #tpu.memory_space<semaphore_mem>>) src(%arg9 : memref<128x128xf32, #tpu.memory_space<vmem>>) dst(%dma_wait3A_63 : memref<10000x128xf32, #tpu.memory_space<vmem_shared>>)
        tpu.yield
      }) : () -> ()
    }
    %scan3A_13 = arith.constant 40 : i32
    %barrier3A_14 = arith.constant 0 : index
    tpu.barrier barrier_id(%barrier3A_14)
    %lt3A_15 = arith.constant 15 : i32
    %lt3A_16 = arith.cmpi slt, %arg1, %lt3A_15 : i32
    %convert_element_type3A_17 = arith.extui %lt3A_16 : i1 to i32
    %cond3A_18 = arith.constant 0 : i32
    %cond3A_19 = arith.cmpi ne, %convert_element_type3A_17, %cond3A_18 : i32
    scf.if %cond3A_19 {
      %mul3A_25 = arith.constant 624 : i32
      %mul3A_26 = arith.muli %arg1, %mul3A_25 : i32
      %multiple_of3A = tpu.assume_multiple %mul3A_26, 8 : i32
      %eq3A_27 = arith.constant 0 : i32
      %eq3A_28 = arith.cmpi eq, %arg0, %eq3A_27 : i32
      %convert_element_type3A_29 = arith.extui %eq3A_28 : i1 to i32
      %cond3A_30 = arith.constant 0 : i32
      %cond3A_31 = arith.cmpi ne, %convert_element_type3A_29, %cond3A_30 : i32
      scf.if %cond3A_31 {
        "tpu.region"() ({
          %run_scoped3A = tpu.sem_alloc : memref<!tpu.dma_semaphore, #tpu.memory_space<semaphore_mem>>
          %dma_start3A = arith.constant 0 : i32
          %dma_start3A_37 = tpu.memref_slice %arg5[%multiple_of3A, %dma_start3A] : memref<10000x128xf32, #tpu.memory_space<hbm>> -> memref<624x128xf32, #tpu.memory_space<hbm>>
          %dma_start3A_38 = arith.constant 0 : i32
          %dma_start3A_39 = tpu.memref_slice %arg14[%multiple_of3A, %dma_start3A_38] : memref<10000x128xf32, #tpu.memory_space<vmem_shared>> -> memref<624x128xf32, #tpu.memory_space<vmem_shared>>
          tpu.enqueue_dma source(%dma_start3A_39 : memref<624x128xf32, #tpu.memory_space<vmem_shared>>) target(%dma_start3A_37 : memref<624x128xf32, #tpu.memory_space<hbm>>) target_semaphore(%run_scoped3A : memref<!tpu.dma_semaphore, #tpu.memory_space<semaphore_mem>>)
          %dma_wait3A = arith.constant 0 : i32
          %dma_wait3A_40 = tpu.memref_slice %arg5[%multiple_of3A, %dma_wait3A] : memref<10000x128xf32, #tpu.memory_space<hbm>> -> memref<624x128xf32, #tpu.memory_space<hbm>>
          %dma_wait3A_41 = arith.constant 0 : i32
          %dma_wait3A_42 = tpu.memref_slice %arg14[%multiple_of3A, %dma_wait3A_41] : memref<10000x128xf32, #tpu.memory_space<vmem_shared>> -> memref<624x128xf32, #tpu.memory_space<vmem_shared>>
          tpu.wait_dma2 semaphore(%run_scoped3A : memref<!tpu.dma_semaphore, #tpu.memory_space<semaphore_mem>>) src(%dma_wait3A_42 : memref<624x128xf32, #tpu.memory_space<vmem_shared>>) dst(%dma_wait3A_40 : memref<624x128xf32, #tpu.memory_space<hbm>>)
          tpu.yield
        }) : () -> ()
      } else {
      }
      %eq3A_32 = arith.constant 1 : i32
      %eq3A_33 = arith.cmpi eq, %arg0, %eq3A_32 : i32
      %convert_element_type3A_34 = arith.extui %eq3A_33 : i1 to i32
      %cond3A_35 = arith.constant 0 : i32
      %cond3A_36 = arith.cmpi ne, %convert_element_type3A_34, %cond3A_35 : i32
      scf.if %cond3A_36 {
        "tpu.region"() ({
          %run_scoped3A = tpu.sem_alloc : memref<!tpu.dma_semaphore, #tpu.memory_space<semaphore_mem>>
          %dma_start3A = arith.constant 0 : i32
          %dma_start3A_37 = tpu.memref_slice %arg6[%multiple_of3A, %dma_start3A] : memref<10000x128xf32, #tpu.memory_space<hbm>> -> memref<624x128xf32, #tpu.memory_space<hbm>>
          %dma_start3A_38 = arith.constant 0 : i32
          %dma_start3A_39 = tpu.memref_slice %arg14[%multiple_of3A, %dma_start3A_38] : memref<10000x128xf32, #tpu.memory_space<vmem_shared>> -> memref<624x128xf32, #tpu.memory_space<vmem_shared>>
          tpu.enqueue_dma source(%dma_start3A_39 : memref<624x128xf32, #tpu.memory_space<vmem_shared>>) target(%dma_start3A_37 : memref<624x128xf32, #tpu.memory_space<hbm>>) target_semaphore(%run_scoped3A : memref<!tpu.dma_semaphore, #tpu.memory_space<semaphore_mem>>)
          %dma_wait3A = arith.constant 0 : i32
          %dma_wait3A_40 = tpu.memref_slice %arg6[%multiple_of3A, %dma_wait3A] : memref<10000x128xf32, #tpu.memory_space<hbm>> -> memref<624x128xf32, #tpu.memory_space<hbm>>
          %dma_wait3A_41 = arith.constant 0 : i32
          %dma_wait3A_42 = tpu.memref_slice %arg14[%multiple_of3A, %dma_wait3A_41] : memref<10000x128xf32, #tpu.memory_space<vmem_shared>> -> memref<624x128xf32, #tpu.memory_space<vmem_shared>>
          tpu.wait_dma2 semaphore(%run_scoped3A : memref<!tpu.dma_semaphore, #tpu.memory_space<semaphore_mem>>) src(%dma_wait3A_42 : memref<624x128xf32, #tpu.memory_space<vmem_shared>>) dst(%dma_wait3A_40 : memref<624x128xf32, #tpu.memory_space<hbm>>)
          tpu.yield
        }) : () -> ()
      } else {
      }
    } else {
    }
    %eq3A_20 = arith.constant 15 : i32
    %eq3A_21 = arith.cmpi eq, %arg1, %eq3A_20 : i32
    %convert_element_type3A_22 = arith.extui %eq3A_21 : i1 to i32
    %cond3A_23 = arith.constant 0 : i32
    %cond3A_24 = arith.cmpi ne, %convert_element_type3A_22, %cond3A_23 : i32
    scf.if %cond3A_24 {
      %eq3A_25 = arith.constant 0 : i32
      %eq3A_26 = arith.cmpi eq, %arg0, %eq3A_25 : i32
      %convert_element_type3A_27 = arith.extui %eq3A_26 : i1 to i32
      %cond3A_28 = arith.constant 0 : i32
      %cond3A_29 = arith.cmpi ne, %convert_element_type3A_27, %cond3A_28 : i32
      scf.if %cond3A_29 {
        "tpu.region"() ({
          %run_scoped3A = tpu.sem_alloc : memref<!tpu.dma_semaphore, #tpu.memory_space<semaphore_mem>>
          %dma_start3A = arith.constant 9360 : i32
          %dma_start3A_35 = arith.constant 0 : i32
          %dma_start3A_36 = tpu.memref_slice %arg5[%dma_start3A, %dma_start3A_35] : memref<10000x128xf32, #tpu.memory_space<hbm>> -> memref<640x128xf32, #tpu.memory_space<hbm>>
          %dma_start3A_37 = arith.constant 9360 : i32
          %dma_start3A_38 = arith.constant 0 : i32
          %dma_start3A_39 = tpu.memref_slice %arg14[%dma_start3A_37, %dma_start3A_38] : memref<10000x128xf32, #tpu.memory_space<vmem_shared>> -> memref<640x128xf32, #tpu.memory_space<vmem_shared>>
          tpu.enqueue_dma source(%dma_start3A_39 : memref<640x128xf32, #tpu.memory_space<vmem_shared>>) target(%dma_start3A_36 : memref<640x128xf32, #tpu.memory_space<hbm>>) target_semaphore(%run_scoped3A : memref<!tpu.dma_semaphore, #tpu.memory_space<semaphore_mem>>)
          %dma_wait3A = arith.constant 9360 : i32
          %dma_wait3A_40 = arith.constant 0 : i32
          %dma_wait3A_41 = tpu.memref_slice %arg5[%dma_wait3A, %dma_wait3A_40] : memref<10000x128xf32, #tpu.memory_space<hbm>> -> memref<640x128xf32, #tpu.memory_space<hbm>>
          %dma_wait3A_42 = arith.constant 9360 : i32
          %dma_wait3A_43 = arith.constant 0 : i32
          %dma_wait3A_44 = tpu.memref_slice %arg14[%dma_wait3A_42, %dma_wait3A_43] : memref<10000x128xf32, #tpu.memory_space<vmem_shared>> -> memref<640x128xf32, #tpu.memory_space<vmem_shared>>
          tpu.wait_dma2 semaphore(%run_scoped3A : memref<!tpu.dma_semaphore, #tpu.memory_space<semaphore_mem>>) src(%dma_wait3A_44 : memref<640x128xf32, #tpu.memory_space<vmem_shared>>) dst(%dma_wait3A_41 : memref<640x128xf32, #tpu.memory_space<hbm>>)
          tpu.yield
        }) : () -> ()
      } else {
      }
      %eq3A_30 = arith.constant 1 : i32
      %eq3A_31 = arith.cmpi eq, %arg0, %eq3A_30 : i32
      %convert_element_type3A_32 = arith.extui %eq3A_31 : i1 to i32
      %cond3A_33 = arith.constant 0 : i32
      %cond3A_34 = arith.cmpi ne, %convert_element_type3A_32, %cond3A_33 : i32
      scf.if %cond3A_34 {
        "tpu.region"() ({
          %run_scoped3A = tpu.sem_alloc : memref<!tpu.dma_semaphore, #tpu.memory_space<semaphore_mem>>
          %dma_start3A = arith.constant 9360 : i32
          %dma_start3A_35 = arith.constant 0 : i32
          %dma_start3A_36 = tpu.memref_slice %arg6[%dma_start3A, %dma_start3A_35] : memref<10000x128xf32, #tpu.memory_space<hbm>> -> memref<640x128xf32, #tpu.memory_space<hbm>>
          %dma_start3A_37 = arith.constant 9360 : i32
          %dma_start3A_38 = arith.constant 0 : i32
          %dma_start3A_39 = tpu.memref_slice %arg14[%dma_start3A_37, %dma_start3A_38] : memref<10000x128xf32, #tpu.memory_space<vmem_shared>> -> memref<640x128xf32, #tpu.memory_space<vmem_shared>>
          tpu.enqueue_dma source(%dma_start3A_39 : memref<640x128xf32, #tpu.memory_space<vmem_shared>>) target(%dma_start3A_36 : memref<640x128xf32, #tpu.memory_space<hbm>>) target_semaphore(%run_scoped3A : memref<!tpu.dma_semaphore, #tpu.memory_space<semaphore_mem>>)
          %dma_wait3A = arith.constant 9360 : i32
          %dma_wait3A_40 = arith.constant 0 : i32
          %dma_wait3A_41 = tpu.memref_slice %arg6[%dma_wait3A, %dma_wait3A_40] : memref<10000x128xf32, #tpu.memory_space<hbm>> -> memref<640x128xf32, #tpu.memory_space<hbm>>
          %dma_wait3A_42 = arith.constant 9360 : i32
          %dma_wait3A_43 = arith.constant 0 : i32
          %dma_wait3A_44 = tpu.memref_slice %arg14[%dma_wait3A_42, %dma_wait3A_43] : memref<10000x128xf32, #tpu.memory_space<vmem_shared>> -> memref<640x128xf32, #tpu.memory_space<vmem_shared>>
          tpu.wait_dma2 semaphore(%run_scoped3A : memref<!tpu.dma_semaphore, #tpu.memory_space<semaphore_mem>>) src(%dma_wait3A_44 : memref<640x128xf32, #tpu.memory_space<vmem_shared>>) dst(%dma_wait3A_41 : memref<640x128xf32, #tpu.memory_space<hbm>>)
          tpu.yield
        }) : () -> ()
      } else {
      }
    } else {
    }
    return
  }
}

#map = affine_map<(d0, d1) -> (0, 0)>
#map1 = affine_map<(d0, d1) -> (0, 0, 0)>
#map2 = affine_map<(d0, d1) -> (0)>
module attributes {stable_mosaic.version = 14 : i64} {
  func.func @_sc_spmm_body(%arg0: i32, %arg1: i32, %arg2: memref<10000x128xf32, #tpu.memory_space<hbm>>, %arg3: memref<32x80x128xi32, #tpu.memory_space<hbm>>, %arg4: memref<327680xi32, #tpu.memory_space<hbm>>, %arg5: memref<10000x128xf32, #tpu.memory_space<hbm>>, %arg6: memref<10000x128xf32, #tpu.memory_space<hbm>>, %arg7: memref<10000x128xf32, #tpu.memory_space<hbm>>, %arg8: memref<80x128xi32, #tpu.memory_space<vmem>>, %arg9: memref<128xi32, #tpu.memory_space<vmem>>, %arg10: memref<128xi32, #tpu.memory_space<vmem>>, %arg11: memref<128x128xf32, #tpu.memory_space<vmem>>, %arg12: memref<128x128xf32, #tpu.memory_space<vmem>>, %arg13: memref<!tpu.dma_semaphore, #tpu.memory_space<semaphore_mem>>, %arg14: memref<!tpu.dma_semaphore, #tpu.memory_space<semaphore_mem>>, %arg15: memref<!tpu.dma_semaphore, #tpu.memory_space<semaphore_mem>>, %arg16: memref<!tpu.dma_semaphore, #tpu.memory_space<semaphore_mem>>, %arg17: memref<!tpu.dma_semaphore, #tpu.memory_space<semaphore_mem>>, %arg18: memref<!tpu.dma_semaphore, #tpu.memory_space<semaphore_mem>>, %arg19: memref<10016x128xf32, #tpu.memory_space<vmem_shared>>) attributes {dimension_semantics = [#tpu.dimension_semantics<core_parallel>, #tpu.dimension_semantics<subcore_parallel>], iteration_bounds = array<i64: 2, 16>, scalar_prefetch = 0 : i64, scratch_operands = 12 : i64, tpu.core_type = #tpu.core_type<sc_vector_subcore>, window_params = [{transform_indices = #map}, {transform_indices = #map1}, {transform_indices = #map2}, {transform_indices = #map}, {transform_indices = #map}, {transform_indices = #map}]} {
    %lt3A = arith.constant 15 : i32
    %lt3A_0 = arith.cmpi slt, %arg1, %lt3A : i32
    %convert_element_type3A = arith.extui %lt3A_0 : i1 to i32
    %cond3A = arith.constant 0 : i32
    %cond3A_1 = arith.cmpi ne, %convert_element_type3A, %cond3A : i32
    scf.if %cond3A_1 {
      %mul3A_25 = arith.constant 624 : i32
      %mul3A_26 = arith.muli %arg1, %mul3A_25 : i32
      %multiple_of3A = tpu.assume_multiple %mul3A_26, 8 : i32
      "tpu.region"() ({
        %run_scoped3A = tpu.sem_alloc : memref<!tpu.dma_semaphore, #tpu.memory_space<semaphore_mem>>
        %dma_start3A = arith.constant 0 : i32
        %dma_start3A_27 = tpu.memref_slice %arg19[%multiple_of3A, %dma_start3A] : memref<10016x128xf32, #tpu.memory_space<vmem_shared>> -> memref<624x128xf32, #tpu.memory_space<vmem_shared>>
        %dma_start3A_28 = arith.constant 0 : i32
        %dma_start3A_29 = tpu.memref_slice %arg5[%multiple_of3A, %dma_start3A_28] : memref<10000x128xf32, #tpu.memory_space<hbm>> -> memref<624x128xf32, #tpu.memory_space<hbm>>
        tpu.enqueue_dma source(%dma_start3A_29 : memref<624x128xf32, #tpu.memory_space<hbm>>) target(%dma_start3A_27 : memref<624x128xf32, #tpu.memory_space<vmem_shared>>) target_semaphore(%run_scoped3A : memref<!tpu.dma_semaphore, #tpu.memory_space<semaphore_mem>>)
        %dma_wait3A = arith.constant 0 : i32
        %dma_wait3A_30 = tpu.memref_slice %arg19[%multiple_of3A, %dma_wait3A] : memref<10016x128xf32, #tpu.memory_space<vmem_shared>> -> memref<624x128xf32, #tpu.memory_space<vmem_shared>>
        %dma_wait3A_31 = arith.constant 0 : i32
        %dma_wait3A_32 = tpu.memref_slice %arg5[%multiple_of3A, %dma_wait3A_31] : memref<10000x128xf32, #tpu.memory_space<hbm>> -> memref<624x128xf32, #tpu.memory_space<hbm>>
        tpu.wait_dma2 semaphore(%run_scoped3A : memref<!tpu.dma_semaphore, #tpu.memory_space<semaphore_mem>>) src(%dma_wait3A_32 : memref<624x128xf32, #tpu.memory_space<hbm>>) dst(%dma_wait3A_30 : memref<624x128xf32, #tpu.memory_space<vmem_shared>>)
        tpu.yield
      }) : () -> ()
    } else {
    }
    %eq3A = arith.constant 15 : i32
    %eq3A_2 = arith.cmpi eq, %arg1, %eq3A : i32
    %convert_element_type3A_3 = arith.extui %eq3A_2 : i1 to i32
    %cond3A_4 = arith.constant 0 : i32
    %cond3A_5 = arith.cmpi ne, %convert_element_type3A_3, %cond3A_4 : i32
    scf.if %cond3A_5 {
      "tpu.region"() ({
        %run_scoped3A = tpu.sem_alloc : memref<!tpu.dma_semaphore, #tpu.memory_space<semaphore_mem>>
        %dma_start3A = arith.constant 9360 : i32
        %dma_start3A_25 = arith.constant 0 : i32
        %dma_start3A_26 = tpu.memref_slice %arg19[%dma_start3A, %dma_start3A_25] : memref<10016x128xf32, #tpu.memory_space<vmem_shared>> -> memref<640x128xf32, #tpu.memory_space<vmem_shared>>
        %dma_start3A_27 = arith.constant 9360 : i32
        %dma_start3A_28 = arith.constant 0 : i32
        %dma_start3A_29 = tpu.memref_slice %arg5[%dma_start3A_27, %dma_start3A_28] : memref<10000x128xf32, #tpu.memory_space<hbm>> -> memref<640x128xf32, #tpu.memory_space<hbm>>
        tpu.enqueue_dma source(%dma_start3A_29 : memref<640x128xf32, #tpu.memory_space<hbm>>) target(%dma_start3A_26 : memref<640x128xf32, #tpu.memory_space<vmem_shared>>) target_semaphore(%run_scoped3A : memref<!tpu.dma_semaphore, #tpu.memory_space<semaphore_mem>>)
        %dma_wait3A = arith.constant 9360 : i32
        %dma_wait3A_30 = arith.constant 0 : i32
        %dma_wait3A_31 = tpu.memref_slice %arg19[%dma_wait3A, %dma_wait3A_30] : memref<10016x128xf32, #tpu.memory_space<vmem_shared>> -> memref<640x128xf32, #tpu.memory_space<vmem_shared>>
        %dma_wait3A_32 = arith.constant 9360 : i32
        %dma_wait3A_33 = arith.constant 0 : i32
        %dma_wait3A_34 = tpu.memref_slice %arg5[%dma_wait3A_32, %dma_wait3A_33] : memref<10000x128xf32, #tpu.memory_space<hbm>> -> memref<640x128xf32, #tpu.memory_space<hbm>>
        tpu.wait_dma2 semaphore(%run_scoped3A : memref<!tpu.dma_semaphore, #tpu.memory_space<semaphore_mem>>) src(%dma_wait3A_34 : memref<640x128xf32, #tpu.memory_space<hbm>>) dst(%dma_wait3A_31 : memref<640x128xf32, #tpu.memory_space<vmem_shared>>)
        tpu.yield
      }) : () -> ()
    } else {
    }
    %mul3A = arith.constant 16 : i32
    %mul3A_6 = arith.muli %arg0, %mul3A : i32
    %add3A = arith.addi %mul3A_6, %arg1 : i32
    "tpu.region"() ({
      %run_scoped3A = tpu.sem_alloc : memref<!tpu.dma_semaphore, #tpu.memory_space<semaphore_mem>>
      %dma_start3A = arith.constant 0 : i32
      %dma_start3A_25 = arith.constant 0 : i32
      %dma_start3A_26 = tpu.memref_slice %arg3[%add3A, %dma_start3A, %dma_start3A_25] : memref<32x80x128xi32, #tpu.memory_space<hbm>> -> memref<1x80x128xi32, #tpu.memory_space<hbm>>
      %dma_start3A_27 = tpu.memref_squeeze %dma_start3A_26 : memref<1x80x128xi32, #tpu.memory_space<hbm>> -> memref<80x128xi32, #tpu.memory_space<hbm>>
      %dma_start3A_28 = arith.constant 0 : i32
      %dma_start3A_29 = arith.constant 0 : i32
      %dma_start3A_30 = tpu.memref_slice %arg3[%add3A, %dma_start3A_28, %dma_start3A_29] : memref<32x80x128xi32, #tpu.memory_space<hbm>> -> memref<1x80x128xi32, #tpu.memory_space<hbm>>
      %dma_start3A_31 = tpu.memref_squeeze %dma_start3A_30 : memref<1x80x128xi32, #tpu.memory_space<hbm>> -> memref<80x128xi32, #tpu.memory_space<hbm>>
      tpu.enqueue_dma source(%dma_start3A_31 : memref<80x128xi32, #tpu.memory_space<hbm>>) target(%arg8 : memref<80x128xi32, #tpu.memory_space<vmem>>) target_semaphore(%run_scoped3A : memref<!tpu.dma_semaphore, #tpu.memory_space<semaphore_mem>>)
      %dma_wait3A = arith.constant 0 : i32
      %dma_wait3A_32 = arith.constant 0 : i32
      %dma_wait3A_33 = tpu.memref_slice %arg3[%add3A, %dma_wait3A, %dma_wait3A_32] : memref<32x80x128xi32, #tpu.memory_space<hbm>> -> memref<1x80x128xi32, #tpu.memory_space<hbm>>
      %dma_wait3A_34 = tpu.memref_squeeze %dma_wait3A_33 : memref<1x80x128xi32, #tpu.memory_space<hbm>> -> memref<80x128xi32, #tpu.memory_space<hbm>>
      %dma_wait3A_35 = arith.constant 0 : i32
      %dma_wait3A_36 = arith.constant 0 : i32
      %dma_wait3A_37 = tpu.memref_slice %arg3[%add3A, %dma_wait3A_35, %dma_wait3A_36] : memref<32x80x128xi32, #tpu.memory_space<hbm>> -> memref<1x80x128xi32, #tpu.memory_space<hbm>>
      %dma_wait3A_38 = tpu.memref_squeeze %dma_wait3A_37 : memref<1x80x128xi32, #tpu.memory_space<hbm>> -> memref<80x128xi32, #tpu.memory_space<hbm>>
      tpu.wait_dma2 semaphore(%run_scoped3A : memref<!tpu.dma_semaphore, #tpu.memory_space<semaphore_mem>>) src(%dma_wait3A_38 : memref<80x128xi32, #tpu.memory_space<hbm>>) dst(%arg8 : memref<80x128xi32, #tpu.memory_space<vmem>>)
      tpu.yield
    }) : () -> ()
    %barrier3A = arith.constant 0 : index
    tpu.barrier barrier_id(%barrier3A)
    %mul3A_7 = arith.constant 10240 : i32
    %mul3A_8 = arith.muli %add3A, %mul3A_7 : i32
    %scan3A = arith.constant 0 : i32
    %scan3A_9 = arith.constant 0 : i32
    %scan3A_10 = arith.constant 40 : i32
    %scan3A_11 = arith.addi %scan3A_9, %scan3A_10 : i32
    %scan3A_12 = arith.constant 1 : i32
    scf.for %scan3A_25 = %scan3A_9 to %scan3A_11 step %scan3A_12  : i32 {
      %mul3A_26 = arith.constant 2 : i32
      %mul3A_27 = arith.muli %mul3A_26, %scan3A_25 : i32
      %dma_start3A = arith.constant 0 : i32
      %dma_start3A_28 = tpu.memref_slice %arg8[%mul3A_27, %dma_start3A] : memref<80x128xi32, #tpu.memory_space<vmem>> -> memref<1x128xi32, #tpu.memory_space<vmem>>
      %dma_start3A_29 = tpu.memref_squeeze %dma_start3A_28 : memref<1x128xi32, #tpu.memory_space<vmem>> -> memref<128xi32, #tpu.memory_space<vmem>>
      %dma_start3A_30 = arith.constant 0 : i32
      %dma_start3A_31 = arith.constant 0 : i32
      %dma_start3A_32 = tpu.memref_slice %arg2[%dma_start3A_30, %dma_start3A_31] : memref<10000x128xf32, #tpu.memory_space<hbm>> -> memref<10000x128xf32, #tpu.memory_space<hbm>>
      tpu.enqueue_indirect_dma source(%dma_start3A_32 : memref<10000x128xf32, #tpu.memory_space<hbm>>) target(%arg11 : memref<128x128xf32, #tpu.memory_space<vmem>>) offsets(%dma_start3A_29 : memref<128xi32, #tpu.memory_space<vmem>>) semaphore(%arg13 : memref<!tpu.dma_semaphore, #tpu.memory_space<semaphore_mem>>)
      %mul3A_33 = arith.constant 128 : i32
      %mul3A_34 = arith.muli %mul3A_27, %mul3A_33 : i32
      %add3A_35 = arith.addi %mul3A_8, %mul3A_34 : i32
      %dma_start3A_36 = tpu.memref_slice %arg4[%add3A_35] : memref<327680xi32, #tpu.memory_space<hbm>> -> memref<128xi32, #tpu.memory_space<hbm>>
      %dma_start3A_37 = tpu.memref_slice %arg4[%add3A_35] : memref<327680xi32, #tpu.memory_space<hbm>> -> memref<128xi32, #tpu.memory_space<hbm>>
      tpu.enqueue_dma source(%dma_start3A_37 : memref<128xi32, #tpu.memory_space<hbm>>) target(%arg9 : memref<128xi32, #tpu.memory_space<vmem>>) target_semaphore(%arg15 : memref<!tpu.dma_semaphore, #tpu.memory_space<semaphore_mem>>)
      %add3A_38 = arith.constant 1 : i32
      %add3A_39 = arith.addi %mul3A_27, %add3A_38 : i32
      %dma_start3A_40 = arith.constant 0 : i32
      %dma_start3A_41 = tpu.memref_slice %arg8[%add3A_39, %dma_start3A_40] : memref<80x128xi32, #tpu.memory_space<vmem>> -> memref<1x128xi32, #tpu.memory_space<vmem>>
      %dma_start3A_42 = tpu.memref_squeeze %dma_start3A_41 : memref<1x128xi32, #tpu.memory_space<vmem>> -> memref<128xi32, #tpu.memory_space<vmem>>
      %dma_start3A_43 = arith.constant 0 : i32
      %dma_start3A_44 = arith.constant 0 : i32
      %dma_start3A_45 = tpu.memref_slice %arg2[%dma_start3A_43, %dma_start3A_44] : memref<10000x128xf32, #tpu.memory_space<hbm>> -> memref<10000x128xf32, #tpu.memory_space<hbm>>
      tpu.enqueue_indirect_dma source(%dma_start3A_45 : memref<10000x128xf32, #tpu.memory_space<hbm>>) target(%arg12 : memref<128x128xf32, #tpu.memory_space<vmem>>) offsets(%dma_start3A_42 : memref<128xi32, #tpu.memory_space<vmem>>) semaphore(%arg14 : memref<!tpu.dma_semaphore, #tpu.memory_space<semaphore_mem>>)
      %add3A_46 = arith.constant 1 : i32
      %add3A_47 = arith.addi %mul3A_27, %add3A_46 : i32
      %mul3A_48 = arith.constant 128 : i32
      %mul3A_49 = arith.muli %add3A_47, %mul3A_48 : i32
      %add3A_50 = arith.addi %mul3A_8, %mul3A_49 : i32
      %dma_start3A_51 = tpu.memref_slice %arg4[%add3A_50] : memref<327680xi32, #tpu.memory_space<hbm>> -> memref<128xi32, #tpu.memory_space<hbm>>
      %dma_start3A_52 = tpu.memref_slice %arg4[%add3A_50] : memref<327680xi32, #tpu.memory_space<hbm>> -> memref<128xi32, #tpu.memory_space<hbm>>
      tpu.enqueue_dma source(%dma_start3A_52 : memref<128xi32, #tpu.memory_space<hbm>>) target(%arg10 : memref<128xi32, #tpu.memory_space<vmem>>) target_semaphore(%arg16 : memref<!tpu.dma_semaphore, #tpu.memory_space<semaphore_mem>>)
      %dma_wait3A = arith.constant 0 : i32
      %dma_wait3A_53 = tpu.memref_slice %arg8[%mul3A_27, %dma_wait3A] : memref<80x128xi32, #tpu.memory_space<vmem>> -> memref<1x128xi32, #tpu.memory_space<vmem>>
      %dma_wait3A_54 = tpu.memref_squeeze %dma_wait3A_53 : memref<1x128xi32, #tpu.memory_space<vmem>> -> memref<128xi32, #tpu.memory_space<vmem>>
      %dma_wait3A_55 = arith.constant 0 : i32
      %dma_wait3A_56 = arith.constant 0 : i32
      %dma_wait3A_57 = tpu.memref_slice %arg2[%dma_wait3A_55, %dma_wait3A_56] : memref<10000x128xf32, #tpu.memory_space<hbm>> -> memref<10000x128xf32, #tpu.memory_space<hbm>>
      tpu.wait_indirect_dma semaphore(%arg13 : memref<!tpu.dma_semaphore, #tpu.memory_space<semaphore_mem>>) src(%dma_wait3A_57 : memref<10000x128xf32, #tpu.memory_space<hbm>>) dst(%arg11 : memref<128x128xf32, #tpu.memory_space<vmem>>)
      %dma_wait3A_58 = tpu.memref_slice %arg4[%add3A_35] : memref<327680xi32, #tpu.memory_space<hbm>> -> memref<128xi32, #tpu.memory_space<hbm>>
      %dma_wait3A_59 = tpu.memref_slice %arg4[%add3A_35] : memref<327680xi32, #tpu.memory_space<hbm>> -> memref<128xi32, #tpu.memory_space<hbm>>
      tpu.wait_dma2 semaphore(%arg15 : memref<!tpu.dma_semaphore, #tpu.memory_space<semaphore_mem>>) src(%dma_wait3A_59 : memref<128xi32, #tpu.memory_space<hbm>>) dst(%arg9 : memref<128xi32, #tpu.memory_space<vmem>>)
      "tpu.region"() ({
        %run_scoped3A = tpu.sem_alloc : memref<!tpu.dma_semaphore, #tpu.memory_space<semaphore_mem>>
        %dma_start3A_68 = arith.constant 0 : i32
        %dma_start3A_69 = arith.constant 0 : i32
        %dma_start3A_70 = tpu.memref_slice %arg19[%dma_start3A_68, %dma_start3A_69] : memref<10016x128xf32, #tpu.memory_space<vmem_shared>> -> memref<10016x128xf32, #tpu.memory_space<vmem_shared>>
        tpu.enqueue_indirect_dma source(%arg11 : memref<128x128xf32, #tpu.memory_space<vmem>>) target(%dma_start3A_70 : memref<10016x128xf32, #tpu.memory_space<vmem_shared>>) offsets(%arg9 : memref<128xi32, #tpu.memory_space<vmem>>) semaphore(%run_scoped3A : memref<!tpu.dma_semaphore, #tpu.memory_space<semaphore_mem>>) {add = true}
        %dma_wait3A_71 = arith.constant 0 : i32
        %dma_wait3A_72 = arith.constant 0 : i32
        %dma_wait3A_73 = tpu.memref_slice %arg19[%dma_wait3A_71, %dma_wait3A_72] : memref<10016x128xf32, #tpu.memory_space<vmem_shared>> -> memref<10016x128xf32, #tpu.memory_space<vmem_shared>>
        tpu.wait_indirect_dma semaphore(%run_scoped3A : memref<!tpu.dma_semaphore, #tpu.memory_space<semaphore_mem>>) src(%arg11 : memref<128x128xf32, #tpu.memory_space<vmem>>) dst(%dma_wait3A_73 : memref<10016x128xf32, #tpu.memory_space<vmem_shared>>)
        tpu.yield
      }) : () -> ()
      %dma_wait3A_60 = arith.constant 0 : i32
      %dma_wait3A_61 = tpu.memref_slice %arg8[%add3A_39, %dma_wait3A_60] : memref<80x128xi32, #tpu.memory_space<vmem>> -> memref<1x128xi32, #tpu.memory_space<vmem>>
      %dma_wait3A_62 = tpu.memref_squeeze %dma_wait3A_61 : memref<1x128xi32, #tpu.memory_space<vmem>> -> memref<128xi32, #tpu.memory_space<vmem>>
      %dma_wait3A_63 = arith.constant 0 : i32
      %dma_wait3A_64 = arith.constant 0 : i32
      %dma_wait3A_65 = tpu.memref_slice %arg2[%dma_wait3A_63, %dma_wait3A_64] : memref<10000x128xf32, #tpu.memory_space<hbm>> -> memref<10000x128xf32, #tpu.memory_space<hbm>>
      tpu.wait_indirect_dma semaphore(%arg14 : memref<!tpu.dma_semaphore, #tpu.memory_space<semaphore_mem>>) src(%dma_wait3A_65 : memref<10000x128xf32, #tpu.memory_space<hbm>>) dst(%arg12 : memref<128x128xf32, #tpu.memory_space<vmem>>)
      %dma_wait3A_66 = tpu.memref_slice %arg4[%add3A_50] : memref<327680xi32, #tpu.memory_space<hbm>> -> memref<128xi32, #tpu.memory_space<hbm>>
      %dma_wait3A_67 = tpu.memref_slice %arg4[%add3A_50] : memref<327680xi32, #tpu.memory_space<hbm>> -> memref<128xi32, #tpu.memory_space<hbm>>
      tpu.wait_dma2 semaphore(%arg16 : memref<!tpu.dma_semaphore, #tpu.memory_space<semaphore_mem>>) src(%dma_wait3A_67 : memref<128xi32, #tpu.memory_space<hbm>>) dst(%arg10 : memref<128xi32, #tpu.memory_space<vmem>>)
      "tpu.region"() ({
        %run_scoped3A = tpu.sem_alloc : memref<!tpu.dma_semaphore, #tpu.memory_space<semaphore_mem>>
        %dma_start3A_68 = arith.constant 0 : i32
        %dma_start3A_69 = arith.constant 0 : i32
        %dma_start3A_70 = tpu.memref_slice %arg19[%dma_start3A_68, %dma_start3A_69] : memref<10016x128xf32, #tpu.memory_space<vmem_shared>> -> memref<10016x128xf32, #tpu.memory_space<vmem_shared>>
        tpu.enqueue_indirect_dma source(%arg12 : memref<128x128xf32, #tpu.memory_space<vmem>>) target(%dma_start3A_70 : memref<10016x128xf32, #tpu.memory_space<vmem_shared>>) offsets(%arg10 : memref<128xi32, #tpu.memory_space<vmem>>) semaphore(%run_scoped3A : memref<!tpu.dma_semaphore, #tpu.memory_space<semaphore_mem>>) {add = true}
        %dma_wait3A_71 = arith.constant 0 : i32
        %dma_wait3A_72 = arith.constant 0 : i32
        %dma_wait3A_73 = tpu.memref_slice %arg19[%dma_wait3A_71, %dma_wait3A_72] : memref<10016x128xf32, #tpu.memory_space<vmem_shared>> -> memref<10016x128xf32, #tpu.memory_space<vmem_shared>>
        tpu.wait_indirect_dma semaphore(%run_scoped3A : memref<!tpu.dma_semaphore, #tpu.memory_space<semaphore_mem>>) src(%arg12 : memref<128x128xf32, #tpu.memory_space<vmem>>) dst(%dma_wait3A_73 : memref<10016x128xf32, #tpu.memory_space<vmem_shared>>)
        tpu.yield
      }) : () -> ()
    }
    %scan3A_13 = arith.constant 40 : i32
    %barrier3A_14 = arith.constant 0 : index
    tpu.barrier barrier_id(%barrier3A_14)
    %lt3A_15 = arith.constant 15 : i32
    %lt3A_16 = arith.cmpi slt, %arg1, %lt3A_15 : i32
    %convert_element_type3A_17 = arith.extui %lt3A_16 : i1 to i32
    %cond3A_18 = arith.constant 0 : i32
    %cond3A_19 = arith.cmpi ne, %convert_element_type3A_17, %cond3A_18 : i32
    scf.if %cond3A_19 {
      %mul3A_25 = arith.constant 624 : i32
      %mul3A_26 = arith.muli %arg1, %mul3A_25 : i32
      %multiple_of3A = tpu.assume_multiple %mul3A_26, 8 : i32
      %eq3A_27 = arith.constant 0 : i32
      %eq3A_28 = arith.cmpi eq, %arg0, %eq3A_27 : i32
      %convert_element_type3A_29 = arith.extui %eq3A_28 : i1 to i32
      %cond3A_30 = arith.constant 0 : i32
      %cond3A_31 = arith.cmpi ne, %convert_element_type3A_29, %cond3A_30 : i32
      scf.if %cond3A_31 {
        "tpu.region"() ({
          %run_scoped3A = tpu.sem_alloc : memref<!tpu.dma_semaphore, #tpu.memory_space<semaphore_mem>>
          %dma_start3A = arith.constant 0 : i32
          %dma_start3A_37 = tpu.memref_slice %arg6[%multiple_of3A, %dma_start3A] : memref<10000x128xf32, #tpu.memory_space<hbm>> -> memref<624x128xf32, #tpu.memory_space<hbm>>
          %dma_start3A_38 = arith.constant 0 : i32
          %dma_start3A_39 = tpu.memref_slice %arg19[%multiple_of3A, %dma_start3A_38] : memref<10016x128xf32, #tpu.memory_space<vmem_shared>> -> memref<624x128xf32, #tpu.memory_space<vmem_shared>>
          tpu.enqueue_dma source(%dma_start3A_39 : memref<624x128xf32, #tpu.memory_space<vmem_shared>>) target(%dma_start3A_37 : memref<624x128xf32, #tpu.memory_space<hbm>>) target_semaphore(%run_scoped3A : memref<!tpu.dma_semaphore, #tpu.memory_space<semaphore_mem>>)
          %dma_wait3A = arith.constant 0 : i32
          %dma_wait3A_40 = tpu.memref_slice %arg6[%multiple_of3A, %dma_wait3A] : memref<10000x128xf32, #tpu.memory_space<hbm>> -> memref<624x128xf32, #tpu.memory_space<hbm>>
          %dma_wait3A_41 = arith.constant 0 : i32
          %dma_wait3A_42 = tpu.memref_slice %arg19[%multiple_of3A, %dma_wait3A_41] : memref<10016x128xf32, #tpu.memory_space<vmem_shared>> -> memref<624x128xf32, #tpu.memory_space<vmem_shared>>
          tpu.wait_dma2 semaphore(%run_scoped3A : memref<!tpu.dma_semaphore, #tpu.memory_space<semaphore_mem>>) src(%dma_wait3A_42 : memref<624x128xf32, #tpu.memory_space<vmem_shared>>) dst(%dma_wait3A_40 : memref<624x128xf32, #tpu.memory_space<hbm>>)
          tpu.yield
        }) : () -> ()
      } else {
      }
      %eq3A_32 = arith.constant 1 : i32
      %eq3A_33 = arith.cmpi eq, %arg0, %eq3A_32 : i32
      %convert_element_type3A_34 = arith.extui %eq3A_33 : i1 to i32
      %cond3A_35 = arith.constant 0 : i32
      %cond3A_36 = arith.cmpi ne, %convert_element_type3A_34, %cond3A_35 : i32
      scf.if %cond3A_36 {
        "tpu.region"() ({
          %run_scoped3A = tpu.sem_alloc : memref<!tpu.dma_semaphore, #tpu.memory_space<semaphore_mem>>
          %dma_start3A = arith.constant 0 : i32
          %dma_start3A_37 = tpu.memref_slice %arg7[%multiple_of3A, %dma_start3A] : memref<10000x128xf32, #tpu.memory_space<hbm>> -> memref<624x128xf32, #tpu.memory_space<hbm>>
          %dma_start3A_38 = arith.constant 0 : i32
          %dma_start3A_39 = tpu.memref_slice %arg19[%multiple_of3A, %dma_start3A_38] : memref<10016x128xf32, #tpu.memory_space<vmem_shared>> -> memref<624x128xf32, #tpu.memory_space<vmem_shared>>
          tpu.enqueue_dma source(%dma_start3A_39 : memref<624x128xf32, #tpu.memory_space<vmem_shared>>) target(%dma_start3A_37 : memref<624x128xf32, #tpu.memory_space<hbm>>) target_semaphore(%run_scoped3A : memref<!tpu.dma_semaphore, #tpu.memory_space<semaphore_mem>>)
          %dma_wait3A = arith.constant 0 : i32
          %dma_wait3A_40 = tpu.memref_slice %arg7[%multiple_of3A, %dma_wait3A] : memref<10000x128xf32, #tpu.memory_space<hbm>> -> memref<624x128xf32, #tpu.memory_space<hbm>>
          %dma_wait3A_41 = arith.constant 0 : i32
          %dma_wait3A_42 = tpu.memref_slice %arg19[%multiple_of3A, %dma_wait3A_41] : memref<10016x128xf32, #tpu.memory_space<vmem_shared>> -> memref<624x128xf32, #tpu.memory_space<vmem_shared>>
          tpu.wait_dma2 semaphore(%run_scoped3A : memref<!tpu.dma_semaphore, #tpu.memory_space<semaphore_mem>>) src(%dma_wait3A_42 : memref<624x128xf32, #tpu.memory_space<vmem_shared>>) dst(%dma_wait3A_40 : memref<624x128xf32, #tpu.memory_space<hbm>>)
          tpu.yield
        }) : () -> ()
      } else {
      }
    } else {
    }
    %eq3A_20 = arith.constant 15 : i32
    %eq3A_21 = arith.cmpi eq, %arg1, %eq3A_20 : i32
    %convert_element_type3A_22 = arith.extui %eq3A_21 : i1 to i32
    %cond3A_23 = arith.constant 0 : i32
    %cond3A_24 = arith.cmpi ne, %convert_element_type3A_22, %cond3A_23 : i32
    scf.if %cond3A_24 {
      %eq3A_25 = arith.constant 0 : i32
      %eq3A_26 = arith.cmpi eq, %arg0, %eq3A_25 : i32
      %convert_element_type3A_27 = arith.extui %eq3A_26 : i1 to i32
      %cond3A_28 = arith.constant 0 : i32
      %cond3A_29 = arith.cmpi ne, %convert_element_type3A_27, %cond3A_28 : i32
      scf.if %cond3A_29 {
        "tpu.region"() ({
          %run_scoped3A = tpu.sem_alloc : memref<!tpu.dma_semaphore, #tpu.memory_space<semaphore_mem>>
          %dma_start3A = arith.constant 9360 : i32
          %dma_start3A_35 = arith.constant 0 : i32
          %dma_start3A_36 = tpu.memref_slice %arg6[%dma_start3A, %dma_start3A_35] : memref<10000x128xf32, #tpu.memory_space<hbm>> -> memref<640x128xf32, #tpu.memory_space<hbm>>
          %dma_start3A_37 = arith.constant 9360 : i32
          %dma_start3A_38 = arith.constant 0 : i32
          %dma_start3A_39 = tpu.memref_slice %arg19[%dma_start3A_37, %dma_start3A_38] : memref<10016x128xf32, #tpu.memory_space<vmem_shared>> -> memref<640x128xf32, #tpu.memory_space<vmem_shared>>
          tpu.enqueue_dma source(%dma_start3A_39 : memref<640x128xf32, #tpu.memory_space<vmem_shared>>) target(%dma_start3A_36 : memref<640x128xf32, #tpu.memory_space<hbm>>) target_semaphore(%run_scoped3A : memref<!tpu.dma_semaphore, #tpu.memory_space<semaphore_mem>>)
          %dma_wait3A = arith.constant 9360 : i32
          %dma_wait3A_40 = arith.constant 0 : i32
          %dma_wait3A_41 = tpu.memref_slice %arg6[%dma_wait3A, %dma_wait3A_40] : memref<10000x128xf32, #tpu.memory_space<hbm>> -> memref<640x128xf32, #tpu.memory_space<hbm>>
          %dma_wait3A_42 = arith.constant 9360 : i32
          %dma_wait3A_43 = arith.constant 0 : i32
          %dma_wait3A_44 = tpu.memref_slice %arg19[%dma_wait3A_42, %dma_wait3A_43] : memref<10016x128xf32, #tpu.memory_space<vmem_shared>> -> memref<640x128xf32, #tpu.memory_space<vmem_shared>>
          tpu.wait_dma2 semaphore(%run_scoped3A : memref<!tpu.dma_semaphore, #tpu.memory_space<semaphore_mem>>) src(%dma_wait3A_44 : memref<640x128xf32, #tpu.memory_space<vmem_shared>>) dst(%dma_wait3A_41 : memref<640x128xf32, #tpu.memory_space<hbm>>)
          tpu.yield
        }) : () -> ()
      } else {
      }
      %eq3A_30 = arith.constant 1 : i32
      %eq3A_31 = arith.cmpi eq, %arg0, %eq3A_30 : i32
      %convert_element_type3A_32 = arith.extui %eq3A_31 : i1 to i32
      %cond3A_33 = arith.constant 0 : i32
      %cond3A_34 = arith.cmpi ne, %convert_element_type3A_32, %cond3A_33 : i32
      scf.if %cond3A_34 {
        "tpu.region"() ({
          %run_scoped3A = tpu.sem_alloc : memref<!tpu.dma_semaphore, #tpu.memory_space<semaphore_mem>>
          %dma_start3A = arith.constant 9360 : i32
          %dma_start3A_35 = arith.constant 0 : i32
          %dma_start3A_36 = tpu.memref_slice %arg7[%dma_start3A, %dma_start3A_35] : memref<10000x128xf32, #tpu.memory_space<hbm>> -> memref<640x128xf32, #tpu.memory_space<hbm>>
          %dma_start3A_37 = arith.constant 9360 : i32
          %dma_start3A_38 = arith.constant 0 : i32
          %dma_start3A_39 = tpu.memref_slice %arg19[%dma_start3A_37, %dma_start3A_38] : memref<10016x128xf32, #tpu.memory_space<vmem_shared>> -> memref<640x128xf32, #tpu.memory_space<vmem_shared>>
          tpu.enqueue_dma source(%dma_start3A_39 : memref<640x128xf32, #tpu.memory_space<vmem_shared>>) target(%dma_start3A_36 : memref<640x128xf32, #tpu.memory_space<hbm>>) target_semaphore(%run_scoped3A : memref<!tpu.dma_semaphore, #tpu.memory_space<semaphore_mem>>)
          %dma_wait3A = arith.constant 9360 : i32
          %dma_wait3A_40 = arith.constant 0 : i32
          %dma_wait3A_41 = tpu.memref_slice %arg7[%dma_wait3A, %dma_wait3A_40] : memref<10000x128xf32, #tpu.memory_space<hbm>> -> memref<640x128xf32, #tpu.memory_space<hbm>>
          %dma_wait3A_42 = arith.constant 9360 : i32
          %dma_wait3A_43 = arith.constant 0 : i32
          %dma_wait3A_44 = tpu.memref_slice %arg19[%dma_wait3A_42, %dma_wait3A_43] : memref<10016x128xf32, #tpu.memory_space<vmem_shared>> -> memref<640x128xf32, #tpu.memory_space<vmem_shared>>
          tpu.wait_dma2 semaphore(%run_scoped3A : memref<!tpu.dma_semaphore, #tpu.memory_space<semaphore_mem>>) src(%dma_wait3A_44 : memref<640x128xf32, #tpu.memory_space<vmem_shared>>) dst(%dma_wait3A_41 : memref<640x128xf32, #tpu.memory_space<hbm>>)
          tpu.yield
        }) : () -> ()
      } else {
      }
    } else {
    }
    return
  }
}

#map = affine_map<(d0, d1) -> (0, 0)>
#map1 = affine_map<(d0, d1) -> (0, 0, 0)>
#map2 = affine_map<(d0, d1) -> (0)>
module attributes {stable_mosaic.version = 14 : i64} {
  func.func @_sc_spmm_body(%arg0: i32, %arg1: i32, %arg2: memref<10000x128xf32, #tpu.memory_space<hbm>>, %arg3: memref<32x80x128xi32, #tpu.memory_space<hbm>>, %arg4: memref<327680xi32, #tpu.memory_space<hbm>>, %arg5: memref<10000x128xf32, #tpu.memory_space<hbm>>, %arg6: memref<10000x128xf32, #tpu.memory_space<hbm>>, %arg7: memref<10000x128xf32, #tpu.memory_space<hbm>>, %arg8: memref<80x128xi32, #tpu.memory_space<vmem>>, %arg9: memref<128xi32, #tpu.memory_space<vmem>>, %arg10: memref<128xi32, #tpu.memory_space<vmem>>, %arg11: memref<128x128xf32, #tpu.memory_space<vmem>>, %arg12: memref<128x128xf32, #tpu.memory_space<vmem>>, %arg13: memref<!tpu.dma_semaphore, #tpu.memory_space<semaphore_mem>>, %arg14: memref<!tpu.dma_semaphore, #tpu.memory_space<semaphore_mem>>, %arg15: memref<!tpu.dma_semaphore, #tpu.memory_space<semaphore_mem>>, %arg16: memref<!tpu.dma_semaphore, #tpu.memory_space<semaphore_mem>>, %arg17: memref<!tpu.dma_semaphore, #tpu.memory_space<semaphore_mem>>, %arg18: memref<!tpu.dma_semaphore, #tpu.memory_space<semaphore_mem>>, %arg19: memref<10016x128xf32, #tpu.memory_space<vmem_shared>>) attributes {dimension_semantics = [#tpu.dimension_semantics<core_parallel>, #tpu.dimension_semantics<subcore_parallel>], iteration_bounds = array<i64: 2, 16>, scalar_prefetch = 0 : i64, scratch_operands = 12 : i64, tpu.core_type = #tpu.core_type<sc_vector_subcore>, window_params = [{transform_indices = #map}, {transform_indices = #map1}, {transform_indices = #map2}, {transform_indices = #map}, {transform_indices = #map}, {transform_indices = #map}]} {
    %lt3A = arith.constant 15 : i32
    %lt3A_0 = arith.cmpi slt, %arg1, %lt3A : i32
    %convert_element_type3A = arith.extui %lt3A_0 : i1 to i32
    %cond3A = arith.constant 0 : i32
    %cond3A_1 = arith.cmpi ne, %convert_element_type3A, %cond3A : i32
    scf.if %cond3A_1 {
      %mul3A_25 = arith.constant 624 : i32
      %mul3A_26 = arith.muli %arg1, %mul3A_25 : i32
      %multiple_of3A = tpu.assume_multiple %mul3A_26, 8 : i32
      "tpu.region"() ({
        %run_scoped3A = tpu.sem_alloc : memref<!tpu.dma_semaphore, #tpu.memory_space<semaphore_mem>>
        %dma_start3A = arith.constant 0 : i32
        %dma_start3A_27 = tpu.memref_slice %arg19[%multiple_of3A, %dma_start3A] : memref<10016x128xf32, #tpu.memory_space<vmem_shared>> -> memref<624x128xf32, #tpu.memory_space<vmem_shared>>
        %dma_start3A_28 = arith.constant 0 : i32
        %dma_start3A_29 = tpu.memref_slice %arg5[%multiple_of3A, %dma_start3A_28] : memref<10000x128xf32, #tpu.memory_space<hbm>> -> memref<624x128xf32, #tpu.memory_space<hbm>>
        tpu.enqueue_dma source(%dma_start3A_29 : memref<624x128xf32, #tpu.memory_space<hbm>>) target(%dma_start3A_27 : memref<624x128xf32, #tpu.memory_space<vmem_shared>>) target_semaphore(%run_scoped3A : memref<!tpu.dma_semaphore, #tpu.memory_space<semaphore_mem>>)
        %dma_wait3A = arith.constant 0 : i32
        %dma_wait3A_30 = tpu.memref_slice %arg19[%multiple_of3A, %dma_wait3A] : memref<10016x128xf32, #tpu.memory_space<vmem_shared>> -> memref<624x128xf32, #tpu.memory_space<vmem_shared>>
        %dma_wait3A_31 = arith.constant 0 : i32
        %dma_wait3A_32 = tpu.memref_slice %arg5[%multiple_of3A, %dma_wait3A_31] : memref<10000x128xf32, #tpu.memory_space<hbm>> -> memref<624x128xf32, #tpu.memory_space<hbm>>
        tpu.wait_dma2 semaphore(%run_scoped3A : memref<!tpu.dma_semaphore, #tpu.memory_space<semaphore_mem>>) src(%dma_wait3A_32 : memref<624x128xf32, #tpu.memory_space<hbm>>) dst(%dma_wait3A_30 : memref<624x128xf32, #tpu.memory_space<vmem_shared>>)
        tpu.yield
      }) : () -> ()
    } else {
    }
    %eq3A = arith.constant 15 : i32
    %eq3A_2 = arith.cmpi eq, %arg1, %eq3A : i32
    %convert_element_type3A_3 = arith.extui %eq3A_2 : i1 to i32
    %cond3A_4 = arith.constant 0 : i32
    %cond3A_5 = arith.cmpi ne, %convert_element_type3A_3, %cond3A_4 : i32
    scf.if %cond3A_5 {
      "tpu.region"() ({
        %run_scoped3A = tpu.sem_alloc : memref<!tpu.dma_semaphore, #tpu.memory_space<semaphore_mem>>
        %dma_start3A = arith.constant 9360 : i32
        %dma_start3A_25 = arith.constant 0 : i32
        %dma_start3A_26 = tpu.memref_slice %arg19[%dma_start3A, %dma_start3A_25] : memref<10016x128xf32, #tpu.memory_space<vmem_shared>> -> memref<640x128xf32, #tpu.memory_space<vmem_shared>>
        %dma_start3A_27 = arith.constant 9360 : i32
        %dma_start3A_28 = arith.constant 0 : i32
        %dma_start3A_29 = tpu.memref_slice %arg5[%dma_start3A_27, %dma_start3A_28] : memref<10000x128xf32, #tpu.memory_space<hbm>> -> memref<640x128xf32, #tpu.memory_space<hbm>>
        tpu.enqueue_dma source(%dma_start3A_29 : memref<640x128xf32, #tpu.memory_space<hbm>>) target(%dma_start3A_26 : memref<640x128xf32, #tpu.memory_space<vmem_shared>>) target_semaphore(%run_scoped3A : memref<!tpu.dma_semaphore, #tpu.memory_space<semaphore_mem>>)
        %dma_wait3A = arith.constant 9360 : i32
        %dma_wait3A_30 = arith.constant 0 : i32
        %dma_wait3A_31 = tpu.memref_slice %arg19[%dma_wait3A, %dma_wait3A_30] : memref<10016x128xf32, #tpu.memory_space<vmem_shared>> -> memref<640x128xf32, #tpu.memory_space<vmem_shared>>
        %dma_wait3A_32 = arith.constant 9360 : i32
        %dma_wait3A_33 = arith.constant 0 : i32
        %dma_wait3A_34 = tpu.memref_slice %arg5[%dma_wait3A_32, %dma_wait3A_33] : memref<10000x128xf32, #tpu.memory_space<hbm>> -> memref<640x128xf32, #tpu.memory_space<hbm>>
        tpu.wait_dma2 semaphore(%run_scoped3A : memref<!tpu.dma_semaphore, #tpu.memory_space<semaphore_mem>>) src(%dma_wait3A_34 : memref<640x128xf32, #tpu.memory_space<hbm>>) dst(%dma_wait3A_31 : memref<640x128xf32, #tpu.memory_space<vmem_shared>>)
        tpu.yield
      }) : () -> ()
    } else {
    }
    %mul3A = arith.constant 16 : i32
    %mul3A_6 = arith.muli %arg0, %mul3A : i32
    %add3A = arith.addi %mul3A_6, %arg1 : i32
    "tpu.region"() ({
      %run_scoped3A = tpu.sem_alloc : memref<!tpu.dma_semaphore, #tpu.memory_space<semaphore_mem>>
      %dma_start3A = arith.constant 0 : i32
      %dma_start3A_25 = arith.constant 0 : i32
      %dma_start3A_26 = tpu.memref_slice %arg3[%add3A, %dma_start3A, %dma_start3A_25] : memref<32x80x128xi32, #tpu.memory_space<hbm>> -> memref<1x80x128xi32, #tpu.memory_space<hbm>>
      %dma_start3A_27 = tpu.memref_squeeze %dma_start3A_26 : memref<1x80x128xi32, #tpu.memory_space<hbm>> -> memref<80x128xi32, #tpu.memory_space<hbm>>
      %dma_start3A_28 = arith.constant 0 : i32
      %dma_start3A_29 = arith.constant 0 : i32
      %dma_start3A_30 = tpu.memref_slice %arg3[%add3A, %dma_start3A_28, %dma_start3A_29] : memref<32x80x128xi32, #tpu.memory_space<hbm>> -> memref<1x80x128xi32, #tpu.memory_space<hbm>>
      %dma_start3A_31 = tpu.memref_squeeze %dma_start3A_30 : memref<1x80x128xi32, #tpu.memory_space<hbm>> -> memref<80x128xi32, #tpu.memory_space<hbm>>
      tpu.enqueue_dma source(%dma_start3A_31 : memref<80x128xi32, #tpu.memory_space<hbm>>) target(%arg8 : memref<80x128xi32, #tpu.memory_space<vmem>>) target_semaphore(%run_scoped3A : memref<!tpu.dma_semaphore, #tpu.memory_space<semaphore_mem>>)
      %dma_wait3A = arith.constant 0 : i32
      %dma_wait3A_32 = arith.constant 0 : i32
      %dma_wait3A_33 = tpu.memref_slice %arg3[%add3A, %dma_wait3A, %dma_wait3A_32] : memref<32x80x128xi32, #tpu.memory_space<hbm>> -> memref<1x80x128xi32, #tpu.memory_space<hbm>>
      %dma_wait3A_34 = tpu.memref_squeeze %dma_wait3A_33 : memref<1x80x128xi32, #tpu.memory_space<hbm>> -> memref<80x128xi32, #tpu.memory_space<hbm>>
      %dma_wait3A_35 = arith.constant 0 : i32
      %dma_wait3A_36 = arith.constant 0 : i32
      %dma_wait3A_37 = tpu.memref_slice %arg3[%add3A, %dma_wait3A_35, %dma_wait3A_36] : memref<32x80x128xi32, #tpu.memory_space<hbm>> -> memref<1x80x128xi32, #tpu.memory_space<hbm>>
      %dma_wait3A_38 = tpu.memref_squeeze %dma_wait3A_37 : memref<1x80x128xi32, #tpu.memory_space<hbm>> -> memref<80x128xi32, #tpu.memory_space<hbm>>
      tpu.wait_dma2 semaphore(%run_scoped3A : memref<!tpu.dma_semaphore, #tpu.memory_space<semaphore_mem>>) src(%dma_wait3A_38 : memref<80x128xi32, #tpu.memory_space<hbm>>) dst(%arg8 : memref<80x128xi32, #tpu.memory_space<vmem>>)
      tpu.yield
    }) : () -> ()
    %barrier3A = arith.constant 0 : index
    tpu.barrier barrier_id(%barrier3A)
    %mul3A_7 = arith.constant 10240 : i32
    %mul3A_8 = arith.muli %add3A, %mul3A_7 : i32
    %scan3A = arith.constant 0 : i32
    %scan3A_9 = arith.constant 0 : i32
    %scan3A_10 = arith.constant 40 : i32
    %scan3A_11 = arith.addi %scan3A_9, %scan3A_10 : i32
    %scan3A_12 = arith.constant 1 : i32
    scf.for %scan3A_25 = %scan3A_9 to %scan3A_11 step %scan3A_12  : i32 {
      %mul3A_26 = arith.constant 2 : i32
      %mul3A_27 = arith.muli %mul3A_26, %scan3A_25 : i32
      %dma_start3A = arith.constant 0 : i32
      %dma_start3A_28 = tpu.memref_slice %arg8[%mul3A_27, %dma_start3A] : memref<80x128xi32, #tpu.memory_space<vmem>> -> memref<1x128xi32, #tpu.memory_space<vmem>>
      %dma_start3A_29 = tpu.memref_squeeze %dma_start3A_28 : memref<1x128xi32, #tpu.memory_space<vmem>> -> memref<128xi32, #tpu.memory_space<vmem>>
      %dma_start3A_30 = arith.constant 0 : i32
      %dma_start3A_31 = arith.constant 0 : i32
      %dma_start3A_32 = tpu.memref_slice %arg2[%dma_start3A_30, %dma_start3A_31] : memref<10000x128xf32, #tpu.memory_space<hbm>> -> memref<10000x128xf32, #tpu.memory_space<hbm>>
      tpu.enqueue_indirect_dma source(%dma_start3A_32 : memref<10000x128xf32, #tpu.memory_space<hbm>>) target(%arg11 : memref<128x128xf32, #tpu.memory_space<vmem>>) offsets(%dma_start3A_29 : memref<128xi32, #tpu.memory_space<vmem>>) semaphore(%arg13 : memref<!tpu.dma_semaphore, #tpu.memory_space<semaphore_mem>>)
      %mul3A_33 = arith.constant 128 : i32
      %mul3A_34 = arith.muli %mul3A_27, %mul3A_33 : i32
      %add3A_35 = arith.addi %mul3A_8, %mul3A_34 : i32
      %dma_start3A_36 = tpu.memref_slice %arg4[%add3A_35] : memref<327680xi32, #tpu.memory_space<hbm>> -> memref<128xi32, #tpu.memory_space<hbm>>
      %dma_start3A_37 = tpu.memref_slice %arg4[%add3A_35] : memref<327680xi32, #tpu.memory_space<hbm>> -> memref<128xi32, #tpu.memory_space<hbm>>
      tpu.enqueue_dma source(%dma_start3A_37 : memref<128xi32, #tpu.memory_space<hbm>>) target(%arg9 : memref<128xi32, #tpu.memory_space<vmem>>) target_semaphore(%arg15 : memref<!tpu.dma_semaphore, #tpu.memory_space<semaphore_mem>>)
      %add3A_38 = arith.constant 1 : i32
      %add3A_39 = arith.addi %mul3A_27, %add3A_38 : i32
      %dma_start3A_40 = arith.constant 0 : i32
      %dma_start3A_41 = tpu.memref_slice %arg8[%add3A_39, %dma_start3A_40] : memref<80x128xi32, #tpu.memory_space<vmem>> -> memref<1x128xi32, #tpu.memory_space<vmem>>
      %dma_start3A_42 = tpu.memref_squeeze %dma_start3A_41 : memref<1x128xi32, #tpu.memory_space<vmem>> -> memref<128xi32, #tpu.memory_space<vmem>>
      %dma_start3A_43 = arith.constant 0 : i32
      %dma_start3A_44 = arith.constant 0 : i32
      %dma_start3A_45 = tpu.memref_slice %arg2[%dma_start3A_43, %dma_start3A_44] : memref<10000x128xf32, #tpu.memory_space<hbm>> -> memref<10000x128xf32, #tpu.memory_space<hbm>>
      tpu.enqueue_indirect_dma source(%dma_start3A_45 : memref<10000x128xf32, #tpu.memory_space<hbm>>) target(%arg12 : memref<128x128xf32, #tpu.memory_space<vmem>>) offsets(%dma_start3A_42 : memref<128xi32, #tpu.memory_space<vmem>>) semaphore(%arg14 : memref<!tpu.dma_semaphore, #tpu.memory_space<semaphore_mem>>)
      %add3A_46 = arith.constant 1 : i32
      %add3A_47 = arith.addi %mul3A_27, %add3A_46 : i32
      %mul3A_48 = arith.constant 128 : i32
      %mul3A_49 = arith.muli %add3A_47, %mul3A_48 : i32
      %add3A_50 = arith.addi %mul3A_8, %mul3A_49 : i32
      %dma_start3A_51 = tpu.memref_slice %arg4[%add3A_50] : memref<327680xi32, #tpu.memory_space<hbm>> -> memref<128xi32, #tpu.memory_space<hbm>>
      %dma_start3A_52 = tpu.memref_slice %arg4[%add3A_50] : memref<327680xi32, #tpu.memory_space<hbm>> -> memref<128xi32, #tpu.memory_space<hbm>>
      tpu.enqueue_dma source(%dma_start3A_52 : memref<128xi32, #tpu.memory_space<hbm>>) target(%arg10 : memref<128xi32, #tpu.memory_space<vmem>>) target_semaphore(%arg16 : memref<!tpu.dma_semaphore, #tpu.memory_space<semaphore_mem>>)
      %dma_wait3A = arith.constant 0 : i32
      %dma_wait3A_53 = tpu.memref_slice %arg8[%mul3A_27, %dma_wait3A] : memref<80x128xi32, #tpu.memory_space<vmem>> -> memref<1x128xi32, #tpu.memory_space<vmem>>
      %dma_wait3A_54 = tpu.memref_squeeze %dma_wait3A_53 : memref<1x128xi32, #tpu.memory_space<vmem>> -> memref<128xi32, #tpu.memory_space<vmem>>
      %dma_wait3A_55 = arith.constant 0 : i32
      %dma_wait3A_56 = arith.constant 0 : i32
      %dma_wait3A_57 = tpu.memref_slice %arg2[%dma_wait3A_55, %dma_wait3A_56] : memref<10000x128xf32, #tpu.memory_space<hbm>> -> memref<10000x128xf32, #tpu.memory_space<hbm>>
      tpu.wait_indirect_dma semaphore(%arg13 : memref<!tpu.dma_semaphore, #tpu.memory_space<semaphore_mem>>) src(%dma_wait3A_57 : memref<10000x128xf32, #tpu.memory_space<hbm>>) dst(%arg11 : memref<128x128xf32, #tpu.memory_space<vmem>>)
      %dma_wait3A_58 = tpu.memref_slice %arg4[%add3A_35] : memref<327680xi32, #tpu.memory_space<hbm>> -> memref<128xi32, #tpu.memory_space<hbm>>
      %dma_wait3A_59 = tpu.memref_slice %arg4[%add3A_35] : memref<327680xi32, #tpu.memory_space<hbm>> -> memref<128xi32, #tpu.memory_space<hbm>>
      tpu.wait_dma2 semaphore(%arg15 : memref<!tpu.dma_semaphore, #tpu.memory_space<semaphore_mem>>) src(%dma_wait3A_59 : memref<128xi32, #tpu.memory_space<hbm>>) dst(%arg9 : memref<128xi32, #tpu.memory_space<vmem>>)
      "tpu.region"() ({
        %run_scoped3A = tpu.sem_alloc : memref<!tpu.dma_semaphore, #tpu.memory_space<semaphore_mem>>
        %dma_start3A_68 = arith.constant 0 : i32
        %dma_start3A_69 = arith.constant 0 : i32
        %dma_start3A_70 = tpu.memref_slice %arg19[%dma_start3A_68, %dma_start3A_69] : memref<10016x128xf32, #tpu.memory_space<vmem_shared>> -> memref<10016x128xf32, #tpu.memory_space<vmem_shared>>
        tpu.enqueue_indirect_dma source(%arg11 : memref<128x128xf32, #tpu.memory_space<vmem>>) target(%dma_start3A_70 : memref<10016x128xf32, #tpu.memory_space<vmem_shared>>) offsets(%arg9 : memref<128xi32, #tpu.memory_space<vmem>>) semaphore(%run_scoped3A : memref<!tpu.dma_semaphore, #tpu.memory_space<semaphore_mem>>) {add = true}
        %dma_wait3A_71 = arith.constant 0 : i32
        %dma_wait3A_72 = arith.constant 0 : i32
        %dma_wait3A_73 = tpu.memref_slice %arg19[%dma_wait3A_71, %dma_wait3A_72] : memref<10016x128xf32, #tpu.memory_space<vmem_shared>> -> memref<10016x128xf32, #tpu.memory_space<vmem_shared>>
        tpu.wait_indirect_dma semaphore(%run_scoped3A : memref<!tpu.dma_semaphore, #tpu.memory_space<semaphore_mem>>) src(%arg11 : memref<128x128xf32, #tpu.memory_space<vmem>>) dst(%dma_wait3A_73 : memref<10016x128xf32, #tpu.memory_space<vmem_shared>>)
        tpu.yield
      }) : () -> ()
      %dma_wait3A_60 = arith.constant 0 : i32
      %dma_wait3A_61 = tpu.memref_slice %arg8[%add3A_39, %dma_wait3A_60] : memref<80x128xi32, #tpu.memory_space<vmem>> -> memref<1x128xi32, #tpu.memory_space<vmem>>
      %dma_wait3A_62 = tpu.memref_squeeze %dma_wait3A_61 : memref<1x128xi32, #tpu.memory_space<vmem>> -> memref<128xi32, #tpu.memory_space<vmem>>
      %dma_wait3A_63 = arith.constant 0 : i32
      %dma_wait3A_64 = arith.constant 0 : i32
      %dma_wait3A_65 = tpu.memref_slice %arg2[%dma_wait3A_63, %dma_wait3A_64] : memref<10000x128xf32, #tpu.memory_space<hbm>> -> memref<10000x128xf32, #tpu.memory_space<hbm>>
      tpu.wait_indirect_dma semaphore(%arg14 : memref<!tpu.dma_semaphore, #tpu.memory_space<semaphore_mem>>) src(%dma_wait3A_65 : memref<10000x128xf32, #tpu.memory_space<hbm>>) dst(%arg12 : memref<128x128xf32, #tpu.memory_space<vmem>>)
      %dma_wait3A_66 = tpu.memref_slice %arg4[%add3A_50] : memref<327680xi32, #tpu.memory_space<hbm>> -> memref<128xi32, #tpu.memory_space<hbm>>
      %dma_wait3A_67 = tpu.memref_slice %arg4[%add3A_50] : memref<327680xi32, #tpu.memory_space<hbm>> -> memref<128xi32, #tpu.memory_space<hbm>>
      tpu.wait_dma2 semaphore(%arg16 : memref<!tpu.dma_semaphore, #tpu.memory_space<semaphore_mem>>) src(%dma_wait3A_67 : memref<128xi32, #tpu.memory_space<hbm>>) dst(%arg10 : memref<128xi32, #tpu.memory_space<vmem>>)
      "tpu.region"() ({
        %run_scoped3A = tpu.sem_alloc : memref<!tpu.dma_semaphore, #tpu.memory_space<semaphore_mem>>
        %dma_start3A_68 = arith.constant 0 : i32
        %dma_start3A_69 = arith.constant 0 : i32
        %dma_start3A_70 = tpu.memref_slice %arg19[%dma_start3A_68, %dma_start3A_69] : memref<10016x128xf32, #tpu.memory_space<vmem_shared>> -> memref<10016x128xf32, #tpu.memory_space<vmem_shared>>
        tpu.enqueue_indirect_dma source(%arg12 : memref<128x128xf32, #tpu.memory_space<vmem>>) target(%dma_start3A_70 : memref<10016x128xf32, #tpu.memory_space<vmem_shared>>) offsets(%arg10 : memref<128xi32, #tpu.memory_space<vmem>>) semaphore(%run_scoped3A : memref<!tpu.dma_semaphore, #tpu.memory_space<semaphore_mem>>) {add = true}
        %dma_wait3A_71 = arith.constant 0 : i32
        %dma_wait3A_72 = arith.constant 0 : i32
        %dma_wait3A_73 = tpu.memref_slice %arg19[%dma_wait3A_71, %dma_wait3A_72] : memref<10016x128xf32, #tpu.memory_space<vmem_shared>> -> memref<10016x128xf32, #tpu.memory_space<vmem_shared>>
        tpu.wait_indirect_dma semaphore(%run_scoped3A : memref<!tpu.dma_semaphore, #tpu.memory_space<semaphore_mem>>) src(%arg12 : memref<128x128xf32, #tpu.memory_space<vmem>>) dst(%dma_wait3A_73 : memref<10016x128xf32, #tpu.memory_space<vmem_shared>>)
        tpu.yield
      }) : () -> ()
    }
    %scan3A_13 = arith.constant 40 : i32
    %barrier3A_14 = arith.constant 0 : index
    tpu.barrier barrier_id(%barrier3A_14)
    %lt3A_15 = arith.constant 15 : i32
    %lt3A_16 = arith.cmpi slt, %arg1, %lt3A_15 : i32
    %convert_element_type3A_17 = arith.extui %lt3A_16 : i1 to i32
    %cond3A_18 = arith.constant 0 : i32
    %cond3A_19 = arith.cmpi ne, %convert_element_type3A_17, %cond3A_18 : i32
    scf.if %cond3A_19 {
      %mul3A_25 = arith.constant 624 : i32
      %mul3A_26 = arith.muli %arg1, %mul3A_25 : i32
      %multiple_of3A = tpu.assume_multiple %mul3A_26, 8 : i32
      %eq3A_27 = arith.constant 0 : i32
      %eq3A_28 = arith.cmpi eq, %arg0, %eq3A_27 : i32
      %convert_element_type3A_29 = arith.extui %eq3A_28 : i1 to i32
      %cond3A_30 = arith.constant 0 : i32
      %cond3A_31 = arith.cmpi ne, %convert_element_type3A_29, %cond3A_30 : i32
      scf.if %cond3A_31 {
        "tpu.region"() ({
          %run_scoped3A = tpu.sem_alloc : memref<!tpu.dma_semaphore, #tpu.memory_space<semaphore_mem>>
          %dma_start3A = arith.constant 0 : i32
          %dma_start3A_37 = tpu.memref_slice %arg6[%multiple_of3A, %dma_start3A] : memref<10000x128xf32, #tpu.memory_space<hbm>> -> memref<624x128xf32, #tpu.memory_space<hbm>>
          %dma_start3A_38 = arith.constant 0 : i32
          %dma_start3A_39 = tpu.memref_slice %arg19[%multiple_of3A, %dma_start3A_38] : memref<10016x128xf32, #tpu.memory_space<vmem_shared>> -> memref<624x128xf32, #tpu.memory_space<vmem_shared>>
          tpu.enqueue_dma source(%dma_start3A_39 : memref<624x128xf32, #tpu.memory_space<vmem_shared>>) target(%dma_start3A_37 : memref<624x128xf32, #tpu.memory_space<hbm>>) target_semaphore(%run_scoped3A : memref<!tpu.dma_semaphore, #tpu.memory_space<semaphore_mem>>)
          %dma_wait3A = arith.constant 0 : i32
          %dma_wait3A_40 = tpu.memref_slice %arg6[%multiple_of3A, %dma_wait3A] : memref<10000x128xf32, #tpu.memory_space<hbm>> -> memref<624x128xf32, #tpu.memory_space<hbm>>
          %dma_wait3A_41 = arith.constant 0 : i32
          %dma_wait3A_42 = tpu.memref_slice %arg19[%multiple_of3A, %dma_wait3A_41] : memref<10016x128xf32, #tpu.memory_space<vmem_shared>> -> memref<624x128xf32, #tpu.memory_space<vmem_shared>>
          tpu.wait_dma2 semaphore(%run_scoped3A : memref<!tpu.dma_semaphore, #tpu.memory_space<semaphore_mem>>) src(%dma_wait3A_42 : memref<624x128xf32, #tpu.memory_space<vmem_shared>>) dst(%dma_wait3A_40 : memref<624x128xf32, #tpu.memory_space<hbm>>)
          tpu.yield
        }) : () -> ()
      } else {
      }
      %eq3A_32 = arith.constant 1 : i32
      %eq3A_33 = arith.cmpi eq, %arg0, %eq3A_32 : i32
      %convert_element_type3A_34 = arith.extui %eq3A_33 : i1 to i32
      %cond3A_35 = arith.constant 0 : i32
      %cond3A_36 = arith.cmpi ne, %convert_element_type3A_34, %cond3A_35 : i32
      scf.if %cond3A_36 {
        "tpu.region"() ({
          %run_scoped3A = tpu.sem_alloc : memref<!tpu.dma_semaphore, #tpu.memory_space<semaphore_mem>>
          %dma_start3A = arith.constant 0 : i32
          %dma_start3A_37 = tpu.memref_slice %arg7[%multiple_of3A, %dma_start3A] : memref<10000x128xf32, #tpu.memory_space<hbm>> -> memref<624x128xf32, #tpu.memory_space<hbm>>
          %dma_start3A_38 = arith.constant 0 : i32
          %dma_start3A_39 = tpu.memref_slice %arg19[%multiple_of3A, %dma_start3A_38] : memref<10016x128xf32, #tpu.memory_space<vmem_shared>> -> memref<624x128xf32, #tpu.memory_space<vmem_shared>>
          tpu.enqueue_dma source(%dma_start3A_39 : memref<624x128xf32, #tpu.memory_space<vmem_shared>>) target(%dma_start3A_37 : memref<624x128xf32, #tpu.memory_space<hbm>>) target_semaphore(%run_scoped3A : memref<!tpu.dma_semaphore, #tpu.memory_space<semaphore_mem>>)
          %dma_wait3A = arith.constant 0 : i32
          %dma_wait3A_40 = tpu.memref_slice %arg7[%multiple_of3A, %dma_wait3A] : memref<10000x128xf32, #tpu.memory_space<hbm>> -> memref<624x128xf32, #tpu.memory_space<hbm>>
          %dma_wait3A_41 = arith.constant 0 : i32
          %dma_wait3A_42 = tpu.memref_slice %arg19[%multiple_of3A, %dma_wait3A_41] : memref<10016x128xf32, #tpu.memory_space<vmem_shared>> -> memref<624x128xf32, #tpu.memory_space<vmem_shared>>
          tpu.wait_dma2 semaphore(%run_scoped3A : memref<!tpu.dma_semaphore, #tpu.memory_space<semaphore_mem>>) src(%dma_wait3A_42 : memref<624x128xf32, #tpu.memory_space<vmem_shared>>) dst(%dma_wait3A_40 : memref<624x128xf32, #tpu.memory_space<hbm>>)
          tpu.yield
        }) : () -> ()
      } else {
      }
    } else {
    }
    %eq3A_20 = arith.constant 15 : i32
    %eq3A_21 = arith.cmpi eq, %arg1, %eq3A_20 : i32
    %convert_element_type3A_22 = arith.extui %eq3A_21 : i1 to i32
    %cond3A_23 = arith.constant 0 : i32
    %cond3A_24 = arith.cmpi ne, %convert_element_type3A_22, %cond3A_23 : i32
    scf.if %cond3A_24 {
      %eq3A_25 = arith.constant 0 : i32
      %eq3A_26 = arith.cmpi eq, %arg0, %eq3A_25 : i32
      %convert_element_type3A_27 = arith.extui %eq3A_26 : i1 to i32
      %cond3A_28 = arith.constant 0 : i32
      %cond3A_29 = arith.cmpi ne, %convert_element_type3A_27, %cond3A_28 : i32
      scf.if %cond3A_29 {
        "tpu.region"() ({
          %run_scoped3A = tpu.sem_alloc : memref<!tpu.dma_semaphore, #tpu.memory_space<semaphore_mem>>
          %dma_start3A = arith.constant 9360 : i32
          %dma_start3A_35 = arith.constant 0 : i32
          %dma_start3A_36 = tpu.memref_slice %arg6[%dma_start3A, %dma_start3A_35] : memref<10000x128xf32, #tpu.memory_space<hbm>> -> memref<640x128xf32, #tpu.memory_space<hbm>>
          %dma_start3A_37 = arith.constant 9360 : i32
          %dma_start3A_38 = arith.constant 0 : i32
          %dma_start3A_39 = tpu.memref_slice %arg19[%dma_start3A_37, %dma_start3A_38] : memref<10016x128xf32, #tpu.memory_space<vmem_shared>> -> memref<640x128xf32, #tpu.memory_space<vmem_shared>>
          tpu.enqueue_dma source(%dma_start3A_39 : memref<640x128xf32, #tpu.memory_space<vmem_shared>>) target(%dma_start3A_36 : memref<640x128xf32, #tpu.memory_space<hbm>>) target_semaphore(%run_scoped3A : memref<!tpu.dma_semaphore, #tpu.memory_space<semaphore_mem>>)
          %dma_wait3A = arith.constant 9360 : i32
          %dma_wait3A_40 = arith.constant 0 : i32
          %dma_wait3A_41 = tpu.memref_slice %arg6[%dma_wait3A, %dma_wait3A_40] : memref<10000x128xf32, #tpu.memory_space<hbm>> -> memref<640x128xf32, #tpu.memory_space<hbm>>
          %dma_wait3A_42 = arith.constant 9360 : i32
          %dma_wait3A_43 = arith.constant 0 : i32
          %dma_wait3A_44 = tpu.memref_slice %arg19[%dma_wait3A_42, %dma_wait3A_43] : memref<10016x128xf32, #tpu.memory_space<vmem_shared>> -> memref<640x128xf32, #tpu.memory_space<vmem_shared>>
          tpu.wait_dma2 semaphore(%run_scoped3A : memref<!tpu.dma_semaphore, #tpu.memory_space<semaphore_mem>>) src(%dma_wait3A_44 : memref<640x128xf32, #tpu.memory_space<vmem_shared>>) dst(%dma_wait3A_41 : memref<640x128xf32, #tpu.memory_space<hbm>>)
          tpu.yield
        }) : () -> ()
      } else {
      }
      %eq3A_30 = arith.constant 1 : i32
      %eq3A_31 = arith.cmpi eq, %arg0, %eq3A_30 : i32
      %convert_element_type3A_32 = arith.extui %eq3A_31 : i1 to i32
      %cond3A_33 = arith.constant 0 : i32
      %cond3A_34 = arith.cmpi ne, %convert_element_type3A_32, %cond3A_33 : i32
      scf.if %cond3A_34 {
        "tpu.region"() ({
          %run_scoped3A = tpu.sem_alloc : memref<!tpu.dma_semaphore, #tpu.memory_space<semaphore_mem>>
          %dma_start3A = arith.constant 9360 : i32
          %dma_start3A_35 = arith.constant 0 : i32
          %dma_start3A_36 = tpu.memref_slice %arg7[%dma_start3A, %dma_start3A_35] : memref<10000x128xf32, #tpu.memory_space<hbm>> -> memref<640x128xf32, #tpu.memory_space<hbm>>
          %dma_start3A_37 = arith.constant 9360 : i32
          %dma_start3A_38 = arith.constant 0 : i32
          %dma_start3A_39 = tpu.memref_slice %arg19[%dma_start3A_37, %dma_start3A_38] : memref<10016x128xf32, #tpu.memory_space<vmem_shared>> -> memref<640x128xf32, #tpu.memory_space<vmem_shared>>
          tpu.enqueue_dma source(%dma_start3A_39 : memref<640x128xf32, #tpu.memory_space<vmem_shared>>) target(%dma_start3A_36 : memref<640x128xf32, #tpu.memory_space<hbm>>) target_semaphore(%run_scoped3A : memref<!tpu.dma_semaphore, #tpu.memory_space<semaphore_mem>>)
          %dma_wait3A = arith.constant 9360 : i32
          %dma_wait3A_40 = arith.constant 0 : i32
          %dma_wait3A_41 = tpu.memref_slice %arg7[%dma_wait3A, %dma_wait3A_40] : memref<10000x128xf32, #tpu.memory_space<hbm>> -> memref<640x128xf32, #tpu.memory_space<hbm>>
          %dma_wait3A_42 = arith.constant 9360 : i32
          %dma_wait3A_43 = arith.constant 0 : i32
          %dma_wait3A_44 = tpu.memref_slice %arg19[%dma_wait3A_42, %dma_wait3A_43] : memref<10016x128xf32, #tpu.memory_space<vmem_shared>> -> memref<640x128xf32, #tpu.memory_space<vmem_shared>>
          tpu.wait_dma2 semaphore(%run_scoped3A : memref<!tpu.dma_semaphore, #tpu.memory_space<semaphore_mem>>) src(%dma_wait3A_44 : memref<640x128xf32, #tpu.memory_space<vmem_shared>>) dst(%dma_wait3A_41 : memref<640x128xf32, #tpu.memory_space<hbm>>)
          tpu.yield
        }) : () -> ()
      } else {
      }
    } else {
    }
    return
  }
}

module attributes {stable_mosaic.version = 14 : i64} {
  func.func @_tc_pre_body(%arg0: memref<10000x128xf32, #tpu.memory_space<vmem>>, %arg1: memref<128x128xf32, #tpu.memory_space<vmem>>, %arg2: memref<1x128xf32, #tpu.memory_space<vmem>>, %arg3: memref<128x128xf32, #tpu.memory_space<vmem>>, %arg4: memref<1x128xf32, #tpu.memory_space<vmem>>, %arg5: memref<1x128xf32, #tpu.memory_space<vmem>>, %arg6: memref<1x128xf32, #tpu.memory_space<vmem>>, %arg7: memref<10000x128xf32, #tpu.memory_space<vmem>>, %arg8: memref<10000x128xf32, #tpu.memory_space<vmem>>) attributes {dimension_semantics = [], scalar_prefetch = 0 : i64, scratch_operands = 0 : i64, tpu.core_type = #tpu.core_type<tc>} {
    %get3A = arith.constant 0 : index
    %get3A_0 = arith.constant 0 : index
    %get3A_1 = vector.load %arg0[%get3A, %get3A_0] : memref<10000x128xf32, #tpu.memory_space<vmem>>, vector<10000x128xf32>
    %get3A_2 = arith.constant 0 : index
    %get3A_3 = arith.constant 0 : index
    %get3A_4 = vector.load %arg1[%get3A_2, %get3A_3] : memref<128x128xf32, #tpu.memory_space<vmem>>, vector<128x128xf32>
    %dot_general3A = arith.constant dense<0.000000e+00> : vector<10000x128xf32>
    %dot_general3A_5 = tpu.matmul %get3A_1, %get3A_4, %dot_general3A {dimension_numbers = #tpu.dot_dimension_numbers<[1], [0], [0], [1], [0, 0, 1, 1], [], []>, transpose_lhs_hint = false} : vector<10000x128xf32>, vector<128x128xf32>, vector<10000x128xf32> -> vector<10000x128xf32>
    %get3A_6 = arith.constant 0 : index
    %get3A_7 = arith.constant 0 : index
    %get3A_8 = vector.load %arg2[%get3A_6, %get3A_7] : memref<1x128xf32, #tpu.memory_space<vmem>>, vector<1x128xf32>
    %add3A = vector.broadcast %get3A_8 : vector<1x128xf32> to vector<10000x128xf32>
    %add3A_9 = arith.addf %dot_general3A_5, %add3A : vector<10000x128xf32>
    %swap3A = arith.constant 0 : index
    %swap3A_10 = arith.constant 0 : index
    %swap3A_11 = vector.load %arg7[%swap3A, %swap3A_10] : memref<10000x128xf32, #tpu.memory_space<vmem>>, vector<10000x128xf32>
    tpu.vector_store %arg7[%swap3A, %swap3A_10], %add3A_9 {strides = array<i32>} : memref<10000x128xf32, #tpu.memory_space<vmem>>, vector<10000x128xf32>,
    %get3A_12 = arith.constant 0 : index
    %get3A_13 = arith.constant 0 : index
    %get3A_14 = vector.load %arg3[%get3A_12, %get3A_13] : memref<128x128xf32, #tpu.memory_space<vmem>>, vector<128x128xf32>
    %dot_general3A_15 = arith.constant dense<0.000000e+00> : vector<10000x128xf32>
    %dot_general3A_16 = tpu.matmul %get3A_1, %get3A_14, %dot_general3A_15 {dimension_numbers = #tpu.dot_dimension_numbers<[1], [0], [0], [1], [0, 0, 1, 1], [], []>, transpose_lhs_hint = false} : vector<10000x128xf32>, vector<128x128xf32>, vector<10000x128xf32> -> vector<10000x128xf32>
    %get3A_17 = arith.constant 0 : index
    %get3A_18 = arith.constant 0 : index
    %get3A_19 = vector.load %arg4[%get3A_17, %get3A_18] : memref<1x128xf32, #tpu.memory_space<vmem>>, vector<1x128xf32>
    %add3A_20 = vector.broadcast %get3A_19 : vector<1x128xf32> to vector<10000x128xf32>
    %add3A_21 = arith.addf %dot_general3A_16, %add3A_20 : vector<10000x128xf32>
    %get3A_22 = arith.constant 0 : index
    %get3A_23 = arith.constant 0 : index
    %get3A_24 = vector.load %arg5[%get3A_22, %get3A_23] : memref<1x128xf32, #tpu.memory_space<vmem>>, vector<1x128xf32>
    %get3A_25 = arith.constant 0 : index
    %get3A_26 = arith.constant 0 : index
    %get3A_27 = vector.load %arg6[%get3A_25, %get3A_26] : memref<1x128xf32, #tpu.memory_space<vmem>>, vector<1x128xf32>
    %reduce_sum3A = arith.constant dense<0.000000e+00> : vector<128xf32>
    %reduce_sum3A_28 = vector.multi_reduction <add>, %add3A_21, %reduce_sum3A [0] : vector<10000x128xf32> to vector<128xf32>
    %div3A = arith.constant 1.000000e+04 : f32
    %div3A_29 = vector.broadcast %div3A : f32 to vector<128xf32>
    %div3A_30 = arith.divf %reduce_sum3A_28, %div3A_29 : vector<128xf32>
    %jit3A = arith.constant 0 : i32
    %reduce_sum3A_31 = arith.constant dense<0.000000e+00> : vector<128xf32>
    %reduce_sum3A_32 = vector.multi_reduction <add>, %add3A_21, %reduce_sum3A_31 [0] : vector<10000x128xf32> to vector<128xf32>
    %broadcast_in_dim3A = vector.shape_cast %reduce_sum3A_32 : vector<128xf32> to vector<1x128xf32>
    %div3A_33 = arith.constant 1.000000e+04 : f32
    %div3A_34 = vector.broadcast %div3A_33 : f32 to vector<1x128xf32>
    %div3A_35 = arith.divf %broadcast_in_dim3A, %div3A_34 : vector<1x128xf32>
    %sub3A = vector.broadcast %div3A_35 : vector<1x128xf32> to vector<10000x128xf32>
    %sub3A_36 = arith.subf %add3A_21, %sub3A : vector<10000x128xf32>
    %square3A = arith.mulf %sub3A_36, %sub3A_36 : vector<10000x128xf32>
    %convert_element_type3A = arith.sitofp %jit3A : i32 to f32
    %sub3A_37 = arith.constant 1.000000e+04 : f32
    %sub3A_38 = arith.subf %sub3A_37, %convert_element_type3A : f32
    %reduce_sum3A_39 = arith.constant dense<0.000000e+00> : vector<128xf32>
    %reduce_sum3A_40 = vector.multi_reduction <add>, %square3A, %reduce_sum3A_39 [0] : vector<10000x128xf32> to vector<128xf32>
    %div3A_41 = vector.broadcast %sub3A_38 : f32 to vector<128xf32>
    %div3A_42 = arith.divf %reduce_sum3A_40, %div3A_41 : vector<128xf32>
    %gt3A = arith.constant 0.000000e+00 : f32
    %gt3A_43 = arith.cmpf ogt, %sub3A_38, %gt3A : f32
    %jit3A_44 = arith.constant 0x7FC00000 : f32
    %broadcast_in_dim3A_45 = vector.broadcast %jit3A_44 : f32 to vector<128xf32>
    %select_n3A = arith.select %gt3A_43, %div3A_42, %broadcast_in_dim3A_45 : vector<128xf32>
    %broadcast_in_dim3A_46 = vector.shape_cast %div3A_30 : vector<128xf32> to vector<1x128xf32>
    %sub3A_47 = vector.broadcast %broadcast_in_dim3A_46 : vector<1x128xf32> to vector<10000x128xf32>
    %sub3A_48 = arith.subf %add3A_21, %sub3A_47 : vector<10000x128xf32>
    %mul3A = vector.broadcast %get3A_24 : vector<1x128xf32> to vector<10000x128xf32>
    %mul3A_49 = arith.mulf %mul3A, %sub3A_48 : vector<10000x128xf32>
    %add3A_50 = arith.constant 9.99999974E-6 : f32
    %add3A_51 = vector.broadcast %add3A_50 : f32 to vector<128xf32>
    %add3A_52 = arith.addf %select_n3A, %add3A_51 : vector<128xf32>
    %rsqrt3A = math.rsqrt %add3A_52 : vector<128xf32>
    %broadcast_in_dim3A_53 = vector.shape_cast %rsqrt3A : vector<128xf32> to vector<1x128xf32>
    %mul3A_54 = vector.broadcast %broadcast_in_dim3A_53 : vector<1x128xf32> to vector<10000x128xf32>
    %mul3A_55 = arith.mulf %mul3A_49, %mul3A_54 : vector<10000x128xf32>
    %add3A_56 = vector.broadcast %get3A_27 : vector<1x128xf32> to vector<10000x128xf32>
    %add3A_57 = arith.addf %mul3A_55, %add3A_56 : vector<10000x128xf32>
    %swap3A_58 = arith.constant 0 : index
    %swap3A_59 = arith.constant 0 : index
    %swap3A_60 = vector.load %arg8[%swap3A_58, %swap3A_59] : memref<10000x128xf32, #tpu.memory_space<vmem>>, vector<10000x128xf32>
    tpu.vector_store %arg8[%swap3A_58, %swap3A_59], %add3A_57 {strides = array<i32>} : memref<10000x128xf32, #tpu.memory_space<vmem>>, vector<10000x128xf32>,
    return
  }
}

module attributes {stable_mosaic.version = 14 : i64} {
  func.func @_tc_layer0_body(%arg0: memref<10000x128xf32, #tpu.memory_space<vmem>>, %arg1: memref<10000x128xf32, #tpu.memory_space<vmem>>, %arg2: memref<10000x128xf32, #tpu.memory_space<vmem>>, %arg3: memref<10000x128xf32, #tpu.memory_space<vmem>>, %arg4: memref<10000x128xf32, #tpu.memory_space<vmem>>, %arg5: memref<128x128xf32, #tpu.memory_space<vmem>>, %arg6: memref<128x128xf32, #tpu.memory_space<vmem>>, %arg7: memref<1x128xf32, #tpu.memory_space<vmem>>, %arg8: memref<128x128xf32, #tpu.memory_space<vmem>>, %arg9: memref<1x128xf32, #tpu.memory_space<vmem>>, %arg10: memref<1x128xf32, #tpu.memory_space<vmem>>, %arg11: memref<1x128xf32, #tpu.memory_space<vmem>>, %arg12: memref<1x128xf32, #tpu.memory_space<vmem>>, %arg13: memref<1x128xf32, #tpu.memory_space<vmem>>, %arg14: memref<1x128xf32, #tpu.memory_space<vmem>>, %arg15: memref<1x128xf32, #tpu.memory_space<vmem>>, %arg16: memref<1x128xf32, #tpu.memory_space<vmem>>, %arg17: memref<1x128xf32, #tpu.memory_space<vmem>>, %arg18: memref<10000x128xf32, #tpu.memory_space<vmem>>, %arg19: memref<10000x128xf32, #tpu.memory_space<vmem>>) attributes {dimension_semantics = [], scalar_prefetch = 0 : i64, scratch_operands = 0 : i64, tpu.core_type = #tpu.core_type<tc>} {
    %get3A = arith.constant 0 : index
    %get3A_0 = arith.constant 0 : index
    %get3A_1 = vector.load %arg0[%get3A, %get3A_0] : memref<10000x128xf32, #tpu.memory_space<vmem>>, vector<10000x128xf32>
    %get3A_2 = arith.constant 0 : index
    %get3A_3 = arith.constant 0 : index
    %get3A_4 = vector.load %arg1[%get3A_2, %get3A_3] : memref<10000x128xf32, #tpu.memory_space<vmem>>, vector<10000x128xf32>
    %add3A = arith.addf %get3A_1, %get3A_4 : vector<10000x128xf32>
    %get3A_5 = arith.constant 0 : index
    %get3A_6 = arith.constant 0 : index
    %get3A_7 = vector.load %arg2[%get3A_5, %get3A_6] : memref<10000x128xf32, #tpu.memory_space<vmem>>, vector<10000x128xf32>
    %get3A_8 = arith.constant 0 : index
    %get3A_9 = arith.constant 0 : index
    %get3A_10 = vector.load %arg3[%get3A_8, %get3A_9] : memref<10000x128xf32, #tpu.memory_space<vmem>>, vector<10000x128xf32>
    %add3A_11 = arith.addf %get3A_7, %get3A_10 : vector<10000x128xf32>
    %get3A_12 = arith.constant 0 : index
    %get3A_13 = arith.constant 0 : index
    %get3A_14 = vector.load %arg5[%get3A_12, %get3A_13] : memref<128x128xf32, #tpu.memory_space<vmem>>, vector<128x128xf32>
    %dot_general3A = arith.constant dense<0.000000e+00> : vector<10000x128xf32>
    %dot_general3A_15 = tpu.matmul %add3A_11, %get3A_14, %dot_general3A {dimension_numbers = #tpu.dot_dimension_numbers<[1], [0], [0], [1], [0, 0, 1, 1], [], []>, transpose_lhs_hint = false} : vector<10000x128xf32>, vector<128x128xf32>, vector<10000x128xf32> -> vector<10000x128xf32>
    %get3A_16 = arith.constant 0 : index
    %get3A_17 = arith.constant 0 : index
    %get3A_18 = vector.load %arg10[%get3A_16, %get3A_17] : memref<1x128xf32, #tpu.memory_space<vmem>>, vector<1x128xf32>
    %get3A_19 = arith.constant 0 : index
    %get3A_20 = arith.constant 0 : index
    %get3A_21 = vector.load %arg11[%get3A_19, %get3A_20] : memref<1x128xf32, #tpu.memory_space<vmem>>, vector<1x128xf32>
    %reduce_sum3A = arith.constant dense<0.000000e+00> : vector<128xf32>
    %reduce_sum3A_22 = vector.multi_reduction <add>, %dot_general3A_15, %reduce_sum3A [0] : vector<10000x128xf32> to vector<128xf32>
    %div3A = arith.constant 1.000000e+04 : f32
    %div3A_23 = vector.broadcast %div3A : f32 to vector<128xf32>
    %div3A_24 = arith.divf %reduce_sum3A_22, %div3A_23 : vector<128xf32>
    %jit3A = arith.constant 0 : i32
    %reduce_sum3A_25 = arith.constant dense<0.000000e+00> : vector<128xf32>
    %reduce_sum3A_26 = vector.multi_reduction <add>, %dot_general3A_15, %reduce_sum3A_25 [0] : vector<10000x128xf32> to vector<128xf32>
    %broadcast_in_dim3A = vector.shape_cast %reduce_sum3A_26 : vector<128xf32> to vector<1x128xf32>
    %div3A_27 = arith.constant 1.000000e+04 : f32
    %div3A_28 = vector.broadcast %div3A_27 : f32 to vector<1x128xf32>
    %div3A_29 = arith.divf %broadcast_in_dim3A, %div3A_28 : vector<1x128xf32>
    %sub3A = vector.broadcast %div3A_29 : vector<1x128xf32> to vector<10000x128xf32>
    %sub3A_30 = arith.subf %dot_general3A_15, %sub3A : vector<10000x128xf32>
    %square3A = arith.mulf %sub3A_30, %sub3A_30 : vector<10000x128xf32>
    %convert_element_type3A = arith.sitofp %jit3A : i32 to f32
    %sub3A_31 = arith.constant 1.000000e+04 : f32
    %sub3A_32 = arith.subf %sub3A_31, %convert_element_type3A : f32
    %reduce_sum3A_33 = arith.constant dense<0.000000e+00> : vector<128xf32>
    %reduce_sum3A_34 = vector.multi_reduction <add>, %square3A, %reduce_sum3A_33 [0] : vector<10000x128xf32> to vector<128xf32>
    %div3A_35 = vector.broadcast %sub3A_32 : f32 to vector<128xf32>
    %div3A_36 = arith.divf %reduce_sum3A_34, %div3A_35 : vector<128xf32>
    %gt3A = arith.constant 0.000000e+00 : f32
    %gt3A_37 = arith.cmpf ogt, %sub3A_32, %gt3A : f32
    %jit3A_38 = arith.constant 0x7FC00000 : f32
    %broadcast_in_dim3A_39 = vector.broadcast %jit3A_38 : f32 to vector<128xf32>
    %select_n3A = arith.select %gt3A_37, %div3A_36, %broadcast_in_dim3A_39 : vector<128xf32>
    %broadcast_in_dim3A_40 = vector.shape_cast %div3A_24 : vector<128xf32> to vector<1x128xf32>
    %sub3A_41 = vector.broadcast %broadcast_in_dim3A_40 : vector<1x128xf32> to vector<10000x128xf32>
    %sub3A_42 = arith.subf %dot_general3A_15, %sub3A_41 : vector<10000x128xf32>
    %mul3A = vector.broadcast %get3A_18 : vector<1x128xf32> to vector<10000x128xf32>
    %mul3A_43 = arith.mulf %mul3A, %sub3A_42 : vector<10000x128xf32>
    %add3A_44 = arith.constant 9.99999974E-6 : f32
    %add3A_45 = vector.broadcast %add3A_44 : f32 to vector<128xf32>
    %add3A_46 = arith.addf %select_n3A, %add3A_45 : vector<128xf32>
    %rsqrt3A = math.rsqrt %add3A_46 : vector<128xf32>
    %broadcast_in_dim3A_47 = vector.shape_cast %rsqrt3A : vector<128xf32> to vector<1x128xf32>
    %mul3A_48 = vector.broadcast %broadcast_in_dim3A_47 : vector<1x128xf32> to vector<10000x128xf32>
    %mul3A_49 = arith.mulf %mul3A_43, %mul3A_48 : vector<10000x128xf32>
    %add3A_50 = vector.broadcast %get3A_21 : vector<1x128xf32> to vector<10000x128xf32>
    %add3A_51 = arith.addf %mul3A_49, %add3A_50 : vector<10000x128xf32>
    %swap3A = arith.constant 0 : index
    %swap3A_52 = arith.constant 0 : index
    %swap3A_53 = vector.load %arg18[%swap3A, %swap3A_52] : memref<10000x128xf32, #tpu.memory_space<vmem>>, vector<10000x128xf32>
    tpu.vector_store %arg18[%swap3A, %swap3A_52], %add3A_51 {strides = array<i32>} : memref<10000x128xf32, #tpu.memory_space<vmem>>, vector<10000x128xf32>,
    %get3A_54 = arith.constant 0 : index
    %get3A_55 = arith.constant 0 : index
    %get3A_56 = vector.load %arg4[%get3A_54, %get3A_55] : memref<10000x128xf32, #tpu.memory_space<vmem>>, vector<10000x128xf32>
    %get3A_57 = arith.constant 0 : index
    %get3A_58 = arith.constant 0 : index
    %get3A_59 = vector.load %arg12[%get3A_57, %get3A_58] : memref<1x128xf32, #tpu.memory_space<vmem>>, vector<1x128xf32>
    %get3A_60 = arith.constant 0 : index
    %get3A_61 = arith.constant 0 : index
    %get3A_62 = vector.load %arg13[%get3A_60, %get3A_61] : memref<1x128xf32, #tpu.memory_space<vmem>>, vector<1x128xf32>
    %reduce_sum3A_63 = arith.constant dense<0.000000e+00> : vector<128xf32>
    %reduce_sum3A_64 = vector.multi_reduction <add>, %add3A, %reduce_sum3A_63 [0] : vector<10000x128xf32> to vector<128xf32>
    %div3A_65 = arith.constant 1.000000e+04 : f32
    %div3A_66 = vector.broadcast %div3A_65 : f32 to vector<128xf32>
    %div3A_67 = arith.divf %reduce_sum3A_64, %div3A_66 : vector<128xf32>
    %jit3A_68 = arith.constant 0 : i32
    %reduce_sum3A_69 = arith.constant dense<0.000000e+00> : vector<128xf32>
    %reduce_sum3A_70 = vector.multi_reduction <add>, %add3A, %reduce_sum3A_69 [0] : vector<10000x128xf32> to vector<128xf32>
    %broadcast_in_dim3A_71 = vector.shape_cast %reduce_sum3A_70 : vector<128xf32> to vector<1x128xf32>
    %div3A_72 = arith.constant 1.000000e+04 : f32
    %div3A_73 = vector.broadcast %div3A_72 : f32 to vector<1x128xf32>
    %div3A_74 = arith.divf %broadcast_in_dim3A_71, %div3A_73 : vector<1x128xf32>
    %sub3A_75 = vector.broadcast %div3A_74 : vector<1x128xf32> to vector<10000x128xf32>
    %sub3A_76 = arith.subf %add3A, %sub3A_75 : vector<10000x128xf32>
    %square3A_77 = arith.mulf %sub3A_76, %sub3A_76 : vector<10000x128xf32>
    %convert_element_type3A_78 = arith.sitofp %jit3A_68 : i32 to f32
    %sub3A_79 = arith.constant 1.000000e+04 : f32
    %sub3A_80 = arith.subf %sub3A_79, %convert_element_type3A_78 : f32
    %reduce_sum3A_81 = arith.constant dense<0.000000e+00> : vector<128xf32>
    %reduce_sum3A_82 = vector.multi_reduction <add>, %square3A_77, %reduce_sum3A_81 [0] : vector<10000x128xf32> to vector<128xf32>
    %div3A_83 = vector.broadcast %sub3A_80 : f32 to vector<128xf32>
    %div3A_84 = arith.divf %reduce_sum3A_82, %div3A_83 : vector<128xf32>
    %gt3A_85 = arith.constant 0.000000e+00 : f32
    %gt3A_86 = arith.cmpf ogt, %sub3A_80, %gt3A_85 : f32
    %jit3A_87 = arith.constant 0x7FC00000 : f32
    %broadcast_in_dim3A_88 = vector.broadcast %jit3A_87 : f32 to vector<128xf32>
    %select_n3A_89 = arith.select %gt3A_86, %div3A_84, %broadcast_in_dim3A_88 : vector<128xf32>
    %broadcast_in_dim3A_90 = vector.shape_cast %div3A_67 : vector<128xf32> to vector<1x128xf32>
    %sub3A_91 = vector.broadcast %broadcast_in_dim3A_90 : vector<1x128xf32> to vector<10000x128xf32>
    %sub3A_92 = arith.subf %add3A, %sub3A_91 : vector<10000x128xf32>
    %mul3A_93 = vector.broadcast %get3A_59 : vector<1x128xf32> to vector<10000x128xf32>
    %mul3A_94 = arith.mulf %mul3A_93, %sub3A_92 : vector<10000x128xf32>
    %add3A_95 = arith.constant 9.99999974E-6 : f32
    %add3A_96 = vector.broadcast %add3A_95 : f32 to vector<128xf32>
    %add3A_97 = arith.addf %select_n3A_89, %add3A_96 : vector<128xf32>
    %rsqrt3A_98 = math.rsqrt %add3A_97 : vector<128xf32>
    %broadcast_in_dim3A_99 = vector.shape_cast %rsqrt3A_98 : vector<128xf32> to vector<1x128xf32>
    %mul3A_100 = vector.broadcast %broadcast_in_dim3A_99 : vector<1x128xf32> to vector<10000x128xf32>
    %mul3A_101 = arith.mulf %mul3A_94, %mul3A_100 : vector<10000x128xf32>
    %add3A_102 = vector.broadcast %get3A_62 : vector<1x128xf32> to vector<10000x128xf32>
    %add3A_103 = arith.addf %mul3A_101, %add3A_102 : vector<10000x128xf32>
    %add3A_104 = arith.addf %get3A_56, %add3A_103 : vector<10000x128xf32>
    %add3A_105 = arith.addf %add3A_104, %add3A_51 : vector<10000x128xf32>
    %max3A = arith.constant 0.000000e+00 : f32
    %max3A_106 = vector.broadcast %max3A : f32 to vector<10000x128xf32>
    %max3A_107 = arith.maximumf %add3A_105, %max3A_106 : vector<10000x128xf32>
    %get3A_108 = arith.constant 0 : index
    %get3A_109 = arith.constant 0 : index
    %get3A_110 = vector.load %arg6[%get3A_108, %get3A_109] : memref<128x128xf32, #tpu.memory_space<vmem>>, vector<128x128xf32>
    %dot_general3A_111 = arith.constant dense<0.000000e+00> : vector<10000x128xf32>
    %dot_general3A_112 = tpu.matmul %max3A_107, %get3A_110, %dot_general3A_111 {dimension_numbers = #tpu.dot_dimension_numbers<[1], [0], [0], [1], [0, 0, 1, 1], [], []>, transpose_lhs_hint = false} : vector<10000x128xf32>, vector<128x128xf32>, vector<10000x128xf32> -> vector<10000x128xf32>
    %get3A_113 = arith.constant 0 : index
    %get3A_114 = arith.constant 0 : index
    %get3A_115 = vector.load %arg7[%get3A_113, %get3A_114] : memref<1x128xf32, #tpu.memory_space<vmem>>, vector<1x128xf32>
    %add3A_116 = vector.broadcast %get3A_115 : vector<1x128xf32> to vector<10000x128xf32>
    %add3A_117 = arith.addf %dot_general3A_112, %add3A_116 : vector<10000x128xf32>
    %get3A_118 = arith.constant 0 : index
    %get3A_119 = arith.constant 0 : index
    %get3A_120 = vector.load %arg14[%get3A_118, %get3A_119] : memref<1x128xf32, #tpu.memory_space<vmem>>, vector<1x128xf32>
    %get3A_121 = arith.constant 0 : index
    %get3A_122 = arith.constant 0 : index
    %get3A_123 = vector.load %arg15[%get3A_121, %get3A_122] : memref<1x128xf32, #tpu.memory_space<vmem>>, vector<1x128xf32>
    %reduce_sum3A_124 = arith.constant dense<0.000000e+00> : vector<128xf32>
    %reduce_sum3A_125 = vector.multi_reduction <add>, %add3A_117, %reduce_sum3A_124 [0] : vector<10000x128xf32> to vector<128xf32>
    %div3A_126 = arith.constant 1.000000e+04 : f32
    %div3A_127 = vector.broadcast %div3A_126 : f32 to vector<128xf32>
    %div3A_128 = arith.divf %reduce_sum3A_125, %div3A_127 : vector<128xf32>
    %jit3A_129 = arith.constant 0 : i32
    %reduce_sum3A_130 = arith.constant dense<0.000000e+00> : vector<128xf32>
    %reduce_sum3A_131 = vector.multi_reduction <add>, %add3A_117, %reduce_sum3A_130 [0] : vector<10000x128xf32> to vector<128xf32>
    %broadcast_in_dim3A_132 = vector.shape_cast %reduce_sum3A_131 : vector<128xf32> to vector<1x128xf32>
    %div3A_133 = arith.constant 1.000000e+04 : f32
    %div3A_134 = vector.broadcast %div3A_133 : f32 to vector<1x128xf32>
    %div3A_135 = arith.divf %broadcast_in_dim3A_132, %div3A_134 : vector<1x128xf32>
    %sub3A_136 = vector.broadcast %div3A_135 : vector<1x128xf32> to vector<10000x128xf32>
    %sub3A_137 = arith.subf %add3A_117, %sub3A_136 : vector<10000x128xf32>
    %square3A_138 = arith.mulf %sub3A_137, %sub3A_137 : vector<10000x128xf32>
    %convert_element_type3A_139 = arith.sitofp %jit3A_129 : i32 to f32
    %sub3A_140 = arith.constant 1.000000e+04 : f32
    %sub3A_141 = arith.subf %sub3A_140, %convert_element_type3A_139 : f32
    %reduce_sum3A_142 = arith.constant dense<0.000000e+00> : vector<128xf32>
    %reduce_sum3A_143 = vector.multi_reduction <add>, %square3A_138, %reduce_sum3A_142 [0] : vector<10000x128xf32> to vector<128xf32>
    %div3A_144 = vector.broadcast %sub3A_141 : f32 to vector<128xf32>
    %div3A_145 = arith.divf %reduce_sum3A_143, %div3A_144 : vector<128xf32>
    %gt3A_146 = arith.constant 0.000000e+00 : f32
    %gt3A_147 = arith.cmpf ogt, %sub3A_141, %gt3A_146 : f32
    %jit3A_148 = arith.constant 0x7FC00000 : f32
    %broadcast_in_dim3A_149 = vector.broadcast %jit3A_148 : f32 to vector<128xf32>
    %select_n3A_150 = arith.select %gt3A_147, %div3A_145, %broadcast_in_dim3A_149 : vector<128xf32>
    %broadcast_in_dim3A_151 = vector.shape_cast %div3A_128 : vector<128xf32> to vector<1x128xf32>
    %sub3A_152 = vector.broadcast %broadcast_in_dim3A_151 : vector<1x128xf32> to vector<10000x128xf32>
    %sub3A_153 = arith.subf %add3A_117, %sub3A_152 : vector<10000x128xf32>
    %mul3A_154 = vector.broadcast %get3A_120 : vector<1x128xf32> to vector<10000x128xf32>
    %mul3A_155 = arith.mulf %mul3A_154, %sub3A_153 : vector<10000x128xf32>
    %add3A_156 = arith.constant 9.99999974E-6 : f32
    %add3A_157 = vector.broadcast %add3A_156 : f32 to vector<128xf32>
    %add3A_158 = arith.addf %select_n3A_150, %add3A_157 : vector<128xf32>
    %rsqrt3A_159 = math.rsqrt %add3A_158 : vector<128xf32>
    %broadcast_in_dim3A_160 = vector.shape_cast %rsqrt3A_159 : vector<128xf32> to vector<1x128xf32>
    %mul3A_161 = vector.broadcast %broadcast_in_dim3A_160 : vector<1x128xf32> to vector<10000x128xf32>
    %mul3A_162 = arith.mulf %mul3A_155, %mul3A_161 : vector<10000x128xf32>
    %add3A_163 = vector.broadcast %get3A_123 : vector<1x128xf32> to vector<10000x128xf32>
    %add3A_164 = arith.addf %mul3A_162, %add3A_163 : vector<10000x128xf32>
    %max3A_165 = arith.constant 0.000000e+00 : f32
    %max3A_166 = vector.broadcast %max3A_165 : f32 to vector<10000x128xf32>
    %max3A_167 = arith.maximumf %add3A_164, %max3A_166 : vector<10000x128xf32>
    %get3A_168 = arith.constant 0 : index
    %get3A_169 = arith.constant 0 : index
    %get3A_170 = vector.load %arg8[%get3A_168, %get3A_169] : memref<128x128xf32, #tpu.memory_space<vmem>>, vector<128x128xf32>
    %dot_general3A_171 = arith.constant dense<0.000000e+00> : vector<10000x128xf32>
    %dot_general3A_172 = tpu.matmul %max3A_167, %get3A_170, %dot_general3A_171 {dimension_numbers = #tpu.dot_dimension_numbers<[1], [0], [0], [1], [0, 0, 1, 1], [], []>, transpose_lhs_hint = false} : vector<10000x128xf32>, vector<128x128xf32>, vector<10000x128xf32> -> vector<10000x128xf32>
    %get3A_173 = arith.constant 0 : index
    %get3A_174 = arith.constant 0 : index
    %get3A_175 = vector.load %arg9[%get3A_173, %get3A_174] : memref<1x128xf32, #tpu.memory_space<vmem>>, vector<1x128xf32>
    %add3A_176 = vector.broadcast %get3A_175 : vector<1x128xf32> to vector<10000x128xf32>
    %add3A_177 = arith.addf %dot_general3A_172, %add3A_176 : vector<10000x128xf32>
    %get3A_178 = arith.constant 0 : index
    %get3A_179 = arith.constant 0 : index
    %get3A_180 = vector.load %arg16[%get3A_178, %get3A_179] : memref<1x128xf32, #tpu.memory_space<vmem>>, vector<1x128xf32>
    %get3A_181 = arith.constant 0 : index
    %get3A_182 = arith.constant 0 : index
    %get3A_183 = vector.load %arg17[%get3A_181, %get3A_182] : memref<1x128xf32, #tpu.memory_space<vmem>>, vector<1x128xf32>
    %reduce_sum3A_184 = arith.constant dense<0.000000e+00> : vector<128xf32>
    %reduce_sum3A_185 = vector.multi_reduction <add>, %add3A_177, %reduce_sum3A_184 [0] : vector<10000x128xf32> to vector<128xf32>
    %div3A_186 = arith.constant 1.000000e+04 : f32
    %div3A_187 = vector.broadcast %div3A_186 : f32 to vector<128xf32>
    %div3A_188 = arith.divf %reduce_sum3A_185, %div3A_187 : vector<128xf32>
    %jit3A_189 = arith.constant 0 : i32
    %reduce_sum3A_190 = arith.constant dense<0.000000e+00> : vector<128xf32>
    %reduce_sum3A_191 = vector.multi_reduction <add>, %add3A_177, %reduce_sum3A_190 [0] : vector<10000x128xf32> to vector<128xf32>
    %broadcast_in_dim3A_192 = vector.shape_cast %reduce_sum3A_191 : vector<128xf32> to vector<1x128xf32>
    %div3A_193 = arith.constant 1.000000e+04 : f32
    %div3A_194 = vector.broadcast %div3A_193 : f32 to vector<1x128xf32>
    %div3A_195 = arith.divf %broadcast_in_dim3A_192, %div3A_194 : vector<1x128xf32>
    %sub3A_196 = vector.broadcast %div3A_195 : vector<1x128xf32> to vector<10000x128xf32>
    %sub3A_197 = arith.subf %add3A_177, %sub3A_196 : vector<10000x128xf32>
    %square3A_198 = arith.mulf %sub3A_197, %sub3A_197 : vector<10000x128xf32>
    %convert_element_type3A_199 = arith.sitofp %jit3A_189 : i32 to f32
    %sub3A_200 = arith.constant 1.000000e+04 : f32
    %sub3A_201 = arith.subf %sub3A_200, %convert_element_type3A_199 : f32
    %reduce_sum3A_202 = arith.constant dense<0.000000e+00> : vector<128xf32>
    %reduce_sum3A_203 = vector.multi_reduction <add>, %square3A_198, %reduce_sum3A_202 [0] : vector<10000x128xf32> to vector<128xf32>
    %div3A_204 = vector.broadcast %sub3A_201 : f32 to vector<128xf32>
    %div3A_205 = arith.divf %reduce_sum3A_203, %div3A_204 : vector<128xf32>
    %gt3A_206 = arith.constant 0.000000e+00 : f32
    %gt3A_207 = arith.cmpf ogt, %sub3A_201, %gt3A_206 : f32
    %jit3A_208 = arith.constant 0x7FC00000 : f32
    %broadcast_in_dim3A_209 = vector.broadcast %jit3A_208 : f32 to vector<128xf32>
    %select_n3A_210 = arith.select %gt3A_207, %div3A_205, %broadcast_in_dim3A_209 : vector<128xf32>
    %broadcast_in_dim3A_211 = vector.shape_cast %div3A_188 : vector<128xf32> to vector<1x128xf32>
    %sub3A_212 = vector.broadcast %broadcast_in_dim3A_211 : vector<1x128xf32> to vector<10000x128xf32>
    %sub3A_213 = arith.subf %add3A_177, %sub3A_212 : vector<10000x128xf32>
    %mul3A_214 = vector.broadcast %get3A_180 : vector<1x128xf32> to vector<10000x128xf32>
    %mul3A_215 = arith.mulf %mul3A_214, %sub3A_213 : vector<10000x128xf32>
    %add3A_216 = arith.constant 9.99999974E-6 : f32
    %add3A_217 = vector.broadcast %add3A_216 : f32 to vector<128xf32>
    %add3A_218 = arith.addf %select_n3A_210, %add3A_217 : vector<128xf32>
    %rsqrt3A_219 = math.rsqrt %add3A_218 : vector<128xf32>
    %broadcast_in_dim3A_220 = vector.shape_cast %rsqrt3A_219 : vector<128xf32> to vector<1x128xf32>
    %mul3A_221 = vector.broadcast %broadcast_in_dim3A_220 : vector<1x128xf32> to vector<10000x128xf32>
    %mul3A_222 = arith.mulf %mul3A_215, %mul3A_221 : vector<10000x128xf32>
    %add3A_223 = vector.broadcast %get3A_183 : vector<1x128xf32> to vector<10000x128xf32>
    %add3A_224 = arith.addf %mul3A_222, %add3A_223 : vector<10000x128xf32>
    %max3A_225 = arith.constant 0.000000e+00 : f32
    %max3A_226 = vector.broadcast %max3A_225 : f32 to vector<10000x128xf32>
    %max3A_227 = arith.maximumf %add3A_224, %max3A_226 : vector<10000x128xf32>
    %swap3A_228 = arith.constant 0 : index
    %swap3A_229 = arith.constant 0 : index
    %swap3A_230 = vector.load %arg19[%swap3A_228, %swap3A_229] : memref<10000x128xf32, #tpu.memory_space<vmem>>, vector<10000x128xf32>
    tpu.vector_store %arg19[%swap3A_228, %swap3A_229], %max3A_227 {strides = array<i32>} : memref<10000x128xf32, #tpu.memory_space<vmem>>, vector<10000x128xf32>,
    return
  }
}

module attributes {stable_mosaic.version = 14 : i64} {
  func.func @_tc_layer1_body(%arg0: memref<10000x128xf32, #tpu.memory_space<vmem>>, %arg1: memref<10000x128xf32, #tpu.memory_space<vmem>>, %arg2: memref<10000x128xf32, #tpu.memory_space<vmem>>, %arg3: memref<10000x128xf32, #tpu.memory_space<vmem>>, %arg4: memref<128x128xf32, #tpu.memory_space<vmem>>, %arg5: memref<1x128xf32, #tpu.memory_space<vmem>>, %arg6: memref<128x128xf32, #tpu.memory_space<vmem>>, %arg7: memref<1x128xf32, #tpu.memory_space<vmem>>, %arg8: memref<1x128xf32, #tpu.memory_space<vmem>>, %arg9: memref<1x128xf32, #tpu.memory_space<vmem>>, %arg10: memref<1x128xf32, #tpu.memory_space<vmem>>, %arg11: memref<1x128xf32, #tpu.memory_space<vmem>>, %arg12: memref<1x128xf32, #tpu.memory_space<vmem>>, %arg13: memref<1x128xf32, #tpu.memory_space<vmem>>, %arg14: memref<10000x128xf32, #tpu.memory_space<vmem>>) attributes {dimension_semantics = [], scalar_prefetch = 0 : i64, scratch_operands = 0 : i64, tpu.core_type = #tpu.core_type<tc>} {
    %get3A = arith.constant 0 : index
    %get3A_0 = arith.constant 0 : index
    %get3A_1 = vector.load %arg0[%get3A, %get3A_0] : memref<10000x128xf32, #tpu.memory_space<vmem>>, vector<10000x128xf32>
    %get3A_2 = arith.constant 0 : index
    %get3A_3 = arith.constant 0 : index
    %get3A_4 = vector.load %arg1[%get3A_2, %get3A_3] : memref<10000x128xf32, #tpu.memory_space<vmem>>, vector<10000x128xf32>
    %add3A = arith.addf %get3A_1, %get3A_4 : vector<10000x128xf32>
    %get3A_5 = arith.constant 0 : index
    %get3A_6 = arith.constant 0 : index
    %get3A_7 = vector.load %arg2[%get3A_5, %get3A_6] : memref<10000x128xf32, #tpu.memory_space<vmem>>, vector<10000x128xf32>
    %get3A_8 = arith.constant 0 : index
    %get3A_9 = arith.constant 0 : index
    %get3A_10 = vector.load %arg8[%get3A_8, %get3A_9] : memref<1x128xf32, #tpu.memory_space<vmem>>, vector<1x128xf32>
    %get3A_11 = arith.constant 0 : index
    %get3A_12 = arith.constant 0 : index
    %get3A_13 = vector.load %arg9[%get3A_11, %get3A_12] : memref<1x128xf32, #tpu.memory_space<vmem>>, vector<1x128xf32>
    %reduce_sum3A = arith.constant dense<0.000000e+00> : vector<128xf32>
    %reduce_sum3A_14 = vector.multi_reduction <add>, %add3A, %reduce_sum3A [0] : vector<10000x128xf32> to vector<128xf32>
    %div3A = arith.constant 1.000000e+04 : f32
    %div3A_15 = vector.broadcast %div3A : f32 to vector<128xf32>
    %div3A_16 = arith.divf %reduce_sum3A_14, %div3A_15 : vector<128xf32>
    %jit3A = arith.constant 0 : i32
    %reduce_sum3A_17 = arith.constant dense<0.000000e+00> : vector<128xf32>
    %reduce_sum3A_18 = vector.multi_reduction <add>, %add3A, %reduce_sum3A_17 [0] : vector<10000x128xf32> to vector<128xf32>
    %broadcast_in_dim3A = vector.shape_cast %reduce_sum3A_18 : vector<128xf32> to vector<1x128xf32>
    %div3A_19 = arith.constant 1.000000e+04 : f32
    %div3A_20 = vector.broadcast %div3A_19 : f32 to vector<1x128xf32>
    %div3A_21 = arith.divf %broadcast_in_dim3A, %div3A_20 : vector<1x128xf32>
    %sub3A = vector.broadcast %div3A_21 : vector<1x128xf32> to vector<10000x128xf32>
    %sub3A_22 = arith.subf %add3A, %sub3A : vector<10000x128xf32>
    %square3A = arith.mulf %sub3A_22, %sub3A_22 : vector<10000x128xf32>
    %convert_element_type3A = arith.sitofp %jit3A : i32 to f32
    %sub3A_23 = arith.constant 1.000000e+04 : f32
    %sub3A_24 = arith.subf %sub3A_23, %convert_element_type3A : f32
    %reduce_sum3A_25 = arith.constant dense<0.000000e+00> : vector<128xf32>
    %reduce_sum3A_26 = vector.multi_reduction <add>, %square3A, %reduce_sum3A_25 [0] : vector<10000x128xf32> to vector<128xf32>
    %div3A_27 = vector.broadcast %sub3A_24 : f32 to vector<128xf32>
    %div3A_28 = arith.divf %reduce_sum3A_26, %div3A_27 : vector<128xf32>
    %gt3A = arith.constant 0.000000e+00 : f32
    %gt3A_29 = arith.cmpf ogt, %sub3A_24, %gt3A : f32
    %jit3A_30 = arith.constant 0x7FC00000 : f32
    %broadcast_in_dim3A_31 = vector.broadcast %jit3A_30 : f32 to vector<128xf32>
    %select_n3A = arith.select %gt3A_29, %div3A_28, %broadcast_in_dim3A_31 : vector<128xf32>
    %broadcast_in_dim3A_32 = vector.shape_cast %div3A_16 : vector<128xf32> to vector<1x128xf32>
    %sub3A_33 = vector.broadcast %broadcast_in_dim3A_32 : vector<1x128xf32> to vector<10000x128xf32>
    %sub3A_34 = arith.subf %add3A, %sub3A_33 : vector<10000x128xf32>
    %mul3A = vector.broadcast %get3A_10 : vector<1x128xf32> to vector<10000x128xf32>
    %mul3A_35 = arith.mulf %mul3A, %sub3A_34 : vector<10000x128xf32>
    %add3A_36 = arith.constant 9.99999974E-6 : f32
    %add3A_37 = vector.broadcast %add3A_36 : f32 to vector<128xf32>
    %add3A_38 = arith.addf %select_n3A, %add3A_37 : vector<128xf32>
    %rsqrt3A = math.rsqrt %add3A_38 : vector<128xf32>
    %broadcast_in_dim3A_39 = vector.shape_cast %rsqrt3A : vector<128xf32> to vector<1x128xf32>
    %mul3A_40 = vector.broadcast %broadcast_in_dim3A_39 : vector<1x128xf32> to vector<10000x128xf32>
    %mul3A_41 = arith.mulf %mul3A_35, %mul3A_40 : vector<10000x128xf32>
    %add3A_42 = vector.broadcast %get3A_13 : vector<1x128xf32> to vector<10000x128xf32>
    %add3A_43 = arith.addf %mul3A_41, %add3A_42 : vector<10000x128xf32>
    %add3A_44 = arith.addf %get3A_7, %add3A_43 : vector<10000x128xf32>
    %get3A_45 = arith.constant 0 : index
    %get3A_46 = arith.constant 0 : index
    %get3A_47 = vector.load %arg3[%get3A_45, %get3A_46] : memref<10000x128xf32, #tpu.memory_space<vmem>>, vector<10000x128xf32>
    %add3A_48 = arith.addf %add3A_44, %get3A_47 : vector<10000x128xf32>
    %max3A = arith.constant 0.000000e+00 : f32
    %max3A_49 = vector.broadcast %max3A : f32 to vector<10000x128xf32>
    %max3A_50 = arith.maximumf %add3A_48, %max3A_49 : vector<10000x128xf32>
    %get3A_51 = arith.constant 0 : index
    %get3A_52 = arith.constant 0 : index
    %get3A_53 = vector.load %arg4[%get3A_51, %get3A_52] : memref<128x128xf32, #tpu.memory_space<vmem>>, vector<128x128xf32>
    %dot_general3A = arith.constant dense<0.000000e+00> : vector<10000x128xf32>
    %dot_general3A_54 = tpu.matmul %max3A_50, %get3A_53, %dot_general3A {dimension_numbers = #tpu.dot_dimension_numbers<[1], [0], [0], [1], [0, 0, 1, 1], [], []>, transpose_lhs_hint = false} : vector<10000x128xf32>, vector<128x128xf32>, vector<10000x128xf32> -> vector<10000x128xf32>
    %get3A_55 = arith.constant 0 : index
    %get3A_56 = arith.constant 0 : index
    %get3A_57 = vector.load %arg5[%get3A_55, %get3A_56] : memref<1x128xf32, #tpu.memory_space<vmem>>, vector<1x128xf32>
    %add3A_58 = vector.broadcast %get3A_57 : vector<1x128xf32> to vector<10000x128xf32>
    %add3A_59 = arith.addf %dot_general3A_54, %add3A_58 : vector<10000x128xf32>
    %get3A_60 = arith.constant 0 : index
    %get3A_61 = arith.constant 0 : index
    %get3A_62 = vector.load %arg10[%get3A_60, %get3A_61] : memref<1x128xf32, #tpu.memory_space<vmem>>, vector<1x128xf32>
    %get3A_63 = arith.constant 0 : index
    %get3A_64 = arith.constant 0 : index
    %get3A_65 = vector.load %arg11[%get3A_63, %get3A_64] : memref<1x128xf32, #tpu.memory_space<vmem>>, vector<1x128xf32>
    %reduce_sum3A_66 = arith.constant dense<0.000000e+00> : vector<128xf32>
    %reduce_sum3A_67 = vector.multi_reduction <add>, %add3A_59, %reduce_sum3A_66 [0] : vector<10000x128xf32> to vector<128xf32>
    %div3A_68 = arith.constant 1.000000e+04 : f32
    %div3A_69 = vector.broadcast %div3A_68 : f32 to vector<128xf32>
    %div3A_70 = arith.divf %reduce_sum3A_67, %div3A_69 : vector<128xf32>
    %jit3A_71 = arith.constant 0 : i32
    %reduce_sum3A_72 = arith.constant dense<0.000000e+00> : vector<128xf32>
    %reduce_sum3A_73 = vector.multi_reduction <add>, %add3A_59, %reduce_sum3A_72 [0] : vector<10000x128xf32> to vector<128xf32>
    %broadcast_in_dim3A_74 = vector.shape_cast %reduce_sum3A_73 : vector<128xf32> to vector<1x128xf32>
    %div3A_75 = arith.constant 1.000000e+04 : f32
    %div3A_76 = vector.broadcast %div3A_75 : f32 to vector<1x128xf32>
    %div3A_77 = arith.divf %broadcast_in_dim3A_74, %div3A_76 : vector<1x128xf32>
    %sub3A_78 = vector.broadcast %div3A_77 : vector<1x128xf32> to vector<10000x128xf32>
    %sub3A_79 = arith.subf %add3A_59, %sub3A_78 : vector<10000x128xf32>
    %square3A_80 = arith.mulf %sub3A_79, %sub3A_79 : vector<10000x128xf32>
    %convert_element_type3A_81 = arith.sitofp %jit3A_71 : i32 to f32
    %sub3A_82 = arith.constant 1.000000e+04 : f32
    %sub3A_83 = arith.subf %sub3A_82, %convert_element_type3A_81 : f32
    %reduce_sum3A_84 = arith.constant dense<0.000000e+00> : vector<128xf32>
    %reduce_sum3A_85 = vector.multi_reduction <add>, %square3A_80, %reduce_sum3A_84 [0] : vector<10000x128xf32> to vector<128xf32>
    %div3A_86 = vector.broadcast %sub3A_83 : f32 to vector<128xf32>
    %div3A_87 = arith.divf %reduce_sum3A_85, %div3A_86 : vector<128xf32>
    %gt3A_88 = arith.constant 0.000000e+00 : f32
    %gt3A_89 = arith.cmpf ogt, %sub3A_83, %gt3A_88 : f32
    %jit3A_90 = arith.constant 0x7FC00000 : f32
    %broadcast_in_dim3A_91 = vector.broadcast %jit3A_90 : f32 to vector<128xf32>
    %select_n3A_92 = arith.select %gt3A_89, %div3A_87, %broadcast_in_dim3A_91 : vector<128xf32>
    %broadcast_in_dim3A_93 = vector.shape_cast %div3A_70 : vector<128xf32> to vector<1x128xf32>
    %sub3A_94 = vector.broadcast %broadcast_in_dim3A_93 : vector<1x128xf32> to vector<10000x128xf32>
    %sub3A_95 = arith.subf %add3A_59, %sub3A_94 : vector<10000x128xf32>
    %mul3A_96 = vector.broadcast %get3A_62 : vector<1x128xf32> to vector<10000x128xf32>
    %mul3A_97 = arith.mulf %mul3A_96, %sub3A_95 : vector<10000x128xf32>
    %add3A_98 = arith.constant 9.99999974E-6 : f32
    %add3A_99 = vector.broadcast %add3A_98 : f32 to vector<128xf32>
    %add3A_100 = arith.addf %select_n3A_92, %add3A_99 : vector<128xf32>
    %rsqrt3A_101 = math.rsqrt %add3A_100 : vector<128xf32>
    %broadcast_in_dim3A_102 = vector.shape_cast %rsqrt3A_101 : vector<128xf32> to vector<1x128xf32>
    %mul3A_103 = vector.broadcast %broadcast_in_dim3A_102 : vector<1x128xf32> to vector<10000x128xf32>
    %mul3A_104 = arith.mulf %mul3A_97, %mul3A_103 : vector<10000x128xf32>
    %add3A_105 = vector.broadcast %get3A_65 : vector<1x128xf32> to vector<10000x128xf32>
    %add3A_106 = arith.addf %mul3A_104, %add3A_105 : vector<10000x128xf32>
    %max3A_107 = arith.constant 0.000000e+00 : f32
    %max3A_108 = vector.broadcast %max3A_107 : f32 to vector<10000x128xf32>
    %max3A_109 = arith.maximumf %add3A_106, %max3A_108 : vector<10000x128xf32>
    %get3A_110 = arith.constant 0 : index
    %get3A_111 = arith.constant 0 : index
    %get3A_112 = vector.load %arg6[%get3A_110, %get3A_111] : memref<128x128xf32, #tpu.memory_space<vmem>>, vector<128x128xf32>
    %dot_general3A_113 = arith.constant dense<0.000000e+00> : vector<10000x128xf32>
    %dot_general3A_114 = tpu.matmul %max3A_109, %get3A_112, %dot_general3A_113 {dimension_numbers = #tpu.dot_dimension_numbers<[1], [0], [0], [1], [0, 0, 1, 1], [], []>, transpose_lhs_hint = false} : vector<10000x128xf32>, vector<128x128xf32>, vector<10000x128xf32> -> vector<10000x128xf32>
    %get3A_115 = arith.constant 0 : index
    %get3A_116 = arith.constant 0 : index
    %get3A_117 = vector.load %arg7[%get3A_115, %get3A_116] : memref<1x128xf32, #tpu.memory_space<vmem>>, vector<1x128xf32>
    %add3A_118 = vector.broadcast %get3A_117 : vector<1x128xf32> to vector<10000x128xf32>
    %add3A_119 = arith.addf %dot_general3A_114, %add3A_118 : vector<10000x128xf32>
    %get3A_120 = arith.constant 0 : index
    %get3A_121 = arith.constant 0 : index
    %get3A_122 = vector.load %arg12[%get3A_120, %get3A_121] : memref<1x128xf32, #tpu.memory_space<vmem>>, vector<1x128xf32>
    %get3A_123 = arith.constant 0 : index
    %get3A_124 = arith.constant 0 : index
    %get3A_125 = vector.load %arg13[%get3A_123, %get3A_124] : memref<1x128xf32, #tpu.memory_space<vmem>>, vector<1x128xf32>
    %reduce_sum3A_126 = arith.constant dense<0.000000e+00> : vector<128xf32>
    %reduce_sum3A_127 = vector.multi_reduction <add>, %add3A_119, %reduce_sum3A_126 [0] : vector<10000x128xf32> to vector<128xf32>
    %div3A_128 = arith.constant 1.000000e+04 : f32
    %div3A_129 = vector.broadcast %div3A_128 : f32 to vector<128xf32>
    %div3A_130 = arith.divf %reduce_sum3A_127, %div3A_129 : vector<128xf32>
    %jit3A_131 = arith.constant 0 : i32
    %reduce_sum3A_132 = arith.constant dense<0.000000e+00> : vector<128xf32>
    %reduce_sum3A_133 = vector.multi_reduction <add>, %add3A_119, %reduce_sum3A_132 [0] : vector<10000x128xf32> to vector<128xf32>
    %broadcast_in_dim3A_134 = vector.shape_cast %reduce_sum3A_133 : vector<128xf32> to vector<1x128xf32>
    %div3A_135 = arith.constant 1.000000e+04 : f32
    %div3A_136 = vector.broadcast %div3A_135 : f32 to vector<1x128xf32>
    %div3A_137 = arith.divf %broadcast_in_dim3A_134, %div3A_136 : vector<1x128xf32>
    %sub3A_138 = vector.broadcast %div3A_137 : vector<1x128xf32> to vector<10000x128xf32>
    %sub3A_139 = arith.subf %add3A_119, %sub3A_138 : vector<10000x128xf32>
    %square3A_140 = arith.mulf %sub3A_139, %sub3A_139 : vector<10000x128xf32>
    %convert_element_type3A_141 = arith.sitofp %jit3A_131 : i32 to f32
    %sub3A_142 = arith.constant 1.000000e+04 : f32
    %sub3A_143 = arith.subf %sub3A_142, %convert_element_type3A_141 : f32
    %reduce_sum3A_144 = arith.constant dense<0.000000e+00> : vector<128xf32>
    %reduce_sum3A_145 = vector.multi_reduction <add>, %square3A_140, %reduce_sum3A_144 [0] : vector<10000x128xf32> to vector<128xf32>
    %div3A_146 = vector.broadcast %sub3A_143 : f32 to vector<128xf32>
    %div3A_147 = arith.divf %reduce_sum3A_145, %div3A_146 : vector<128xf32>
    %gt3A_148 = arith.constant 0.000000e+00 : f32
    %gt3A_149 = arith.cmpf ogt, %sub3A_143, %gt3A_148 : f32
    %jit3A_150 = arith.constant 0x7FC00000 : f32
    %broadcast_in_dim3A_151 = vector.broadcast %jit3A_150 : f32 to vector<128xf32>
    %select_n3A_152 = arith.select %gt3A_149, %div3A_147, %broadcast_in_dim3A_151 : vector<128xf32>
    %broadcast_in_dim3A_153 = vector.shape_cast %div3A_130 : vector<128xf32> to vector<1x128xf32>
    %sub3A_154 = vector.broadcast %broadcast_in_dim3A_153 : vector<1x128xf32> to vector<10000x128xf32>
    %sub3A_155 = arith.subf %add3A_119, %sub3A_154 : vector<10000x128xf32>
    %mul3A_156 = vector.broadcast %get3A_122 : vector<1x128xf32> to vector<10000x128xf32>
    %mul3A_157 = arith.mulf %mul3A_156, %sub3A_155 : vector<10000x128xf32>
    %add3A_158 = arith.constant 9.99999974E-6 : f32
    %add3A_159 = vector.broadcast %add3A_158 : f32 to vector<128xf32>
    %add3A_160 = arith.addf %select_n3A_152, %add3A_159 : vector<128xf32>
    %rsqrt3A_161 = math.rsqrt %add3A_160 : vector<128xf32>
    %broadcast_in_dim3A_162 = vector.shape_cast %rsqrt3A_161 : vector<128xf32> to vector<1x128xf32>
    %mul3A_163 = vector.broadcast %broadcast_in_dim3A_162 : vector<1x128xf32> to vector<10000x128xf32>
    %mul3A_164 = arith.mulf %mul3A_157, %mul3A_163 : vector<10000x128xf32>
    %add3A_165 = vector.broadcast %get3A_125 : vector<1x128xf32> to vector<10000x128xf32>
    %add3A_166 = arith.addf %mul3A_164, %add3A_165 : vector<10000x128xf32>
    %max3A_167 = arith.constant 0.000000e+00 : f32
    %max3A_168 = vector.broadcast %max3A_167 : f32 to vector<10000x128xf32>
    %max3A_169 = arith.maximumf %add3A_166, %max3A_168 : vector<10000x128xf32>
    %swap3A = arith.constant 0 : index
    %swap3A_170 = arith.constant 0 : index
    %swap3A_171 = vector.load %arg14[%swap3A, %swap3A_170] : memref<10000x128xf32, #tpu.memory_space<vmem>>, vector<10000x128xf32>
    tpu.vector_store %arg14[%swap3A, %swap3A_170], %max3A_169 {strides = array<i32>} : memref<10000x128xf32, #tpu.memory_space<vmem>>, vector<10000x128xf32>,
    return
  }
}

</mosaic_0001>

<sc_bundles>
// kernel: kernel.12.cloned.1.call-start
scs
__scs_entry_jumppad:
0x0: {  	(pc) =	sbr.rel $0x88, $3  }
0x1: {  	(tag) =	ssettag $0x0;
	lr =	simm.s32 $0x1  }
0x2: {  	[smem:$0x3F86] =	sst lr;
	_ =	strace $0xD0000000  }
0x3: {  	_ = 	snop  }
0x4: {  	_ = 	snop  }
0x5: {  	_ = 	snop  }
0x6: {  	_ = 	snop  }
0x7: {  	_ = 	snop  }
__scs_overlays_trampoline_lowered:
0x8: {  	[smem:$0x3F95] =	sst s0  }
0x9: {  	[smem:$0x3F96] =	sst s1  }
0xa: {  	[smem:$0x3F97] =	sst s2  }
0xb: {  	[smem:$0x3F98] =	sst s3  }
0xc: {  	[smem:$0x3F99] =	sst s4  }
0xd: {  	[smem:$0x3F9A] =	sst s5  }
0xe: {  	[smem:$0x3F9B] =	sst s6  }
0xf: {  	[smem:$0x3F9C] =	sst s7  }
0x10: {  	[smem:$0x3F9D] =	sst s8  }
0x11: {  	[smem:$0x3F9E] =	sst s9;
	s0 =	simm.s32 @!p0 $0x0  }
0x12: {  	s1 =	sld [smem:$0x3F84];
	s0 =	simm.s32 @p0 $0x1  }
0x13: {  	[smem:$0x3F9F] =	sst s0;
	s0 =	simm.s32 @!p1 $0x0  }
0x14: {  	s2 =	sld [smem:$0x3F83];
	s0 =	simm.s32 @p1 $0x1  }
0x15: {  	[smem:$0x3FA0] =	sst s0;
	s0 =	simm.s32 @!p2 $0x0  }
0x16: {  	s3 =	sld [smem:$0x3FDB];
	s0 =	simm.s32 @p2 $0x1  }
0x17: {  	s4 =	simm.s32 $0x1BF5;
	[smem:$0x3FA2] =	sst s0  }
0x18: {  	s0 =	sld [smem:$0x3F85];
	_ =	swait.ge [sflag:s4], $0x0  }
0x19: {  	s7 =	sld [smem:$0x3F86]  }
0x1a: {  	s8 =	sadd.s32 $0xFFFFE003, lr  }
0x1b: {  	s9 =	sadd.s32 $0xFFFFFEF7, lr;
	s5 =	simm.s32 $0xFFFFFFFF;
	p2 =	slt.u32 s8, $0xFFFFF086  }
0x1c: {  	p1 =	slt.u32 s9, $0xF7A;
	s5 =	simm.s32 @!p2 $0x0  }
0x1d: {  	s5 =	simm.s32 @p1 $0x1;
	p0 =	seq.s32 s7, s2  }
0x1e: {  	s7 =	smul.u32 @!p0 $0xF7A, s2;
	p2 =	seq.s32 @!p0 s5, $0x0  }
0x1f: {  	s9 =	smul.u32 $0xF7A, s1;
	s8 =	simm.s32 @!p0 $0x1BF5;
	p2 =	por !p2, p0  }
0x20: {  	[sflag:s8] =	ssyncset.s32 @!p0 $0xFFFFF086;
	s6 =	sadd.s32 @!p0 s3, s7;
	s7 =	simm.s32 @!p0 $0x108  }
0x21: {  	s3 =	sadd.s32 s3, s9;
	s6 =	sadd.s32 @!p0 $0x88, s6;
	s7 =	simm.s32 @p2 $0x1082  }
0x22: {  	[simem:s7], [sflag:s8] =	dma.local @!p0 [hbm:s6], $0xF7A  }
0x23: {  	s9 =	sor.u32 $0xD0000000, s2;
	s6 =	simm.s32 $0x108;
	_ =	swait.ge @!p0 [sflag:s8], $0x0  }
0x24: {  	s3 =	sadd.s32 $0x88, s3;
	s6 =	simm.s32 @!p1 $0x1082;
	[sflag:s4] =	ssyncset.s32 $0xFFFFF086  }
0x25: {  	[simem:s6], [sflag:s4] =	dma.local [hbm:s3], $0xF7A  }
0x26: {  	[smem:$0x3F86] =	sst s1;
	(tag) =	ssettag s2;
	_ =	strace s9  }
0x27: {  	s1 =	sld [smem:$0x3F96]  }
0x28: {  	s2 =	sld [smem:$0x3F97]  }
0x29: {  	s4 =	sld [smem:$0x3F99]  }
0x2a: {  	p0 =	seq.s32 s5, $0x0;
	s5 =	sld [smem:$0x3F9A]  }
0x2b: {  	s6 =	sld [smem:$0x3F9B]  }
0x2c: {  	s7 =	sld [smem:$0x3F9C]  }
0x2d: {  	s3 =	simm.s32 $0x108;
	s8 =	sld [smem:$0x3F9D]  }
0x2e: {  	s3 =	simm.s32 @!p0 $0x1082;
	s9 =	sld [smem:$0x3F9E]  }
0x2f: {  	lr =	sadd.s32 s0, s3;
	s0 =	sld [smem:$0x3F95]  }
0x30: {  	s3 =	sld [smem:$0x3F98]  }
0x31: {  	[smem:$0x3FA1] =	sst s10  }
0x32: {  	s10 =	sld [smem:$0x3F9F];
	_ =	sdelay $0x3  }
0x33: {  	p0 =	seq.s32 s10, $0x1;
	s10 =	sld [smem:$0x3FA1];
	_ =	sdelay $0x3  }
0x34: {  	[smem:$0x3FA1] =	sst s10  }
0x35: {  	s10 =	sld [smem:$0x3FA0];
	_ =	sdelay $0x3  }
0x36: {  	p1 =	seq.s32 s10, $0x1;
	s10 =	sld [smem:$0x3FA1];
	_ =	sdelay $0x3  }
0x37: {  	[smem:$0x3FA1] =	sst s10  }
0x38: {  	s10 =	sld [smem:$0x3FA2]  }
0x39: {  	_ = 	snop;
	(pc) =	sbr.ind lr, $3  }
0x3a: {  	_ = 	snop  }
0x3b: {  	_ = 	snop  }
0x3c: {  	p2 =	seq.s32 s10, $0x1;
	s10 =	sld [smem:$0x3FA1]  }
0x3d: {  	_ =	shalt  }
0x3e: {  	_ =	shalt  }
0x3f: {  	_ =	shalt  }
0x40: {  	_ =	shalt  }
0x41: {  	_ =	shalt  }
0x42: {  	_ =	shalt  }
0x43: {  	_ =	shalt  }
0x44: {  	_ =	shalt  }
0x45: {  	_ =	shalt  }
0x46: {  	_ =	shalt  }
0x47: {  	_ =	shalt  }
0x48: {  	_ =	shalt  }
0x49: {  	_ =	shalt  }
0x4a: {  	_ =	shalt  }
0x4b: {  	_ =	shalt  }
0x4c: {  	_ =	shalt  }
0x4d: {  	_ =	shalt  }
0x4e: {  	_ =	shalt  }
0x4f: {  	_ =	shalt  }
0x50: {  	_ =	shalt  }
0x51: {  	_ =	shalt  }
0x52: {  	_ =	shalt  }
0x53: {  	_ =	shalt  }
0x54: {  	_ =	shalt  }
0x55: {  	_ =	shalt  }
0x56: {  	_ =	shalt  }
0x57: {  	_ =	shalt  }
0x58: {  	_ =	shalt  }
0x59: {  	_ =	shalt  }
0x5a: {  	_ =	shalt  }
0x5b: {  	_ =	shalt  }
0x5c: {  	_ =	shalt  }
0x5d: {  	_ =	shalt  }
0x5e: {  	_ =	shalt  }
0x5f: {  	_ =	shalt  }
0x60: {  	_ =	shalt  }
0x61: {  	_ =	shalt  }
0x62: {  	_ =	shalt  }
0x63: {  	_ =	shalt  }
0x64: {  	_ =	shalt  }
0x65: {  	_ =	shalt  }
0x66: {  	_ =	shalt  }
0x67: {  	_ =	shalt  }
0x68: {  	_ =	shalt  }
0x69: {  	_ =	shalt  }
0x6a: {  	_ =	shalt  }
0x6b: {  	_ =	shalt  }
0x6c: {  	_ =	shalt  }
0x6d: {  	_ =	shalt  }
0x6e: {  	_ =	shalt  }
0x6f: {  	_ =	shalt  }
0x70: {  	_ =	shalt  }
0x71: {  	_ =	shalt  }
0x72: {  	_ =	shalt  }
0x73: {  	_ =	shalt  }
0x74: {  	_ =	shalt  }
0x75: {  	_ =	shalt  }
0x76: {  	_ =	shalt  }
0x77: {  	_ =	shalt  }
0x78: {  	_ =	shalt  }
0x79: {  	_ =	shalt  }
0x7a: {  	_ =	shalt  }
0x7b: {  	_ =	shalt  }
0x7c: {  	_ =	shalt  }
0x7d: {  	_ =	shalt  }
0x7e: {  	_ =	shalt  }
0x7f: {  	_ =	shalt  }
0x80: {  	_ =	shalt  }
0x81: {  	_ =	shalt  }
0x82: {  	_ =	shalt  }
0x83: {  	_ =	shalt  }
0x84: {  	_ =	shalt  }
0x85: {  	_ =	shalt  }
0x86: {  	_ =	shalt  }
0x87: {  	_ =	shalt  }
.Lfunc_end0:
.L_simem_size_0:
called_computation.1_lowered:
.L_overlay_start_0:
0x88: {  	s2 =	sld [smem:$0x3FD9]  }
0x89: {  	s3 =	sld [smem:$0x3FFE];
	_ =	sdelay $0x1  }
0x8a: {  	s1 =	srdreg.scid  }
0x8b: {  	s0 =	sand.u32 $0x1, s1  }
0x8c: {  	s17 =	sshll.u32 s0, $0xA;
	s2 =	sadd.s32 s3, s2  }
0x8d: {  	s2 =	sadd.s32 s2, s17  }
0x8e: {  	[smem:$0x3FAD] =	sst s2  }
0x8f: {  	_ = 	snop  }
0x90: {  	s2 =	sld [smem:$0x3FD0];
	(tm) =	ssettm $0x1  }
0x91: {  	s18 =	sld [smem:$0x3FFB];
	_ =	sdelay $0x3  }
0x92: {  	_ =	strace s18  }
0x93: {  	s3 =	sld [smem:$0x3FFC];
	_ =	sdelay $0x3  }
0x94: {  	_ =	strace s3  }
0x95: {  	s3 =	sld [smem:$0x3FFD];
	_ =	sdelay $0x3  }
0x96: {  	_ =	strace s3  }
0x97: {  	_ =	strace $0x8FFFFFFF  }
0x98: {  	s19 =	sld [smem:$0x3FDB];
	_ =	sdelay $0x1  }
0x99: {  	s4 =	simm.s32 $_scs_section_size  }
0x9a: {  	s5 =	simm.s32 $_size__tile_overlayer_lowered;
	s6 =	simm.s32 $_tile_overlayer_lowered  }
0x9b: {  	s22 =	simm.s32 $0x1BFF;
	s21 =	sshll.u32 s6, $0x1;
	s3 =	sadd.s32 s4, s19  }
0x9c: {  	s7 =	simm.s32 $0x0;
	s20 =	sshll.u32 s5, $0x1;
	s5 =	sadd.s32 s21, s3  }
0x9d: {  	[timem:s7], [sflag:s22] =	dma.local [hbm:s5], s20  }
0x9e: {  	_ =	swait.ge [sflag:s22], s20  }
0x9f: {  	s4 =	ssub.s32 $0x0, s20;
	[sflag:s22] =	ssyncset.done $0x0  }
0xa0: {  	[sflag:s22] =	ssyncadd.s32 s4;
	_ =	sdelay $0x1  }
0xa1: {  	s23 =	simm.s32 $0x1B8B  }
0xa2: {  	_ =	swait.ge [sflag:s23], $0x1  }
0xa3: {  	[sflag:s23] =	ssyncset.done $0x0  }
0xa4: {  	s25 =	simm.s32 $0x1B8E;
	s24 =	sld [smem:$0x3FFE];
	[sflag:s23] =	ssyncadd.s32 $0xFFFFFFFF  }
0xa5: {  	s26 =	simm.s32 $execute0_lowered;
	[smem:$0x3FD2] =	sst s25  }
0xa6: {  	s5 =	sshll.u32 s26, $0x1;
	_ =	strace $0x80000049;
	[dreg:$0x1] =	wrdreg $0xFFFFFFFF  }
0xa7: {  	s28 =	simm.s32 $_size_execute0_lowered;
	s3 =	sadd.s32 s3, s5;
	[dreg:$0x0] =	wrdreg $0x0  }
0xa8: {  	s5 =	sshll.u32 s28, $0x1;
	[dreg:$0x2] =	wrdreg s3  }
0xa9: {  	[dreg:$0x3] =	wrdreg s5  }
0xaa: {  	[dreg:$0x4] =	wrdreg $0xC0  }
0xab: {  	_ =	task [dreg:s7], $0x5FFFF  }
0xac: {  	[dreg:$0x1] =	wrdreg $0xFFFFFFFF  }
0xad: {  	[dreg:$0x0] =	wrdreg $0x60  }
0xae: {  	[dreg:$0x2] =	wrdreg s24  }
0xaf: {  	[dreg:$0x3] =	wrdreg s2  }
0xb0: {  	[dreg:$0x4] =	wrdreg $0xA8000  }
0xb1: {  	[dreg:$0x5] =	wrdreg $0x9  }
0xb2: {  	_ =	task.clear_ibuf [dreg:s7], $0x6FFFF;
	_ =	strace $0x90000049  }
0xb3: {  	s29 =	simm.s32 $0x9;
	_ =	strace $0x8000004B  }
0xb4: {  	_ =	swait.ge [sflag:s29], $0x1  }
0xb5: {  	[sflag:s29] =	ssyncadd.s32 $0xFFFFFFFF  }
0xb6: {  	_ =	strace $0x9000004B  }
0xb7: {  	_ =	sfence  }
0xb8: {  	s30 =	sld [smem:$0x0];
	_ =	sdelay $0x2  }
0xb9: {  	s31 =	sshll.u32 s1, $0xD;
	s1 =	sshrl.u32 s1, $0x2  }
0xba: {  	s3 =	sand.u32 $0x4000, s31;
	s1 =	sadd.s32 s1, s30  }
0xbb: {  	s0 =	sor.u32 s3, s0;
	s1 =	sshll.u32 s1, $0x11  }
0xbc: {  	s0 =	sor.u32 s1, s0  }
0xbd: {  	s0 =	sadd.s32 $0x8F2B, s0  }
0xbe: {  	[sflag:s0] =	ssyncadd.remote.s32 $0x1  }
0xbf: {  	_ =	sfence.sel $0xFFFF  }
0xc0: {  	[dreg:$0x0] =	wrdreg $0xFFFFFFFF;
	(pc) =	sbr.abs _section_cstart, $3  }
0xc1: {  	[dreg:$0x1] =	wrdreg $0xFFFFFFFF  }
0xc2: {  	_ =	task.clear_ibuf [dreg:s7], $0x2FFFF;
	_ =	strace $0x9FFFFFFF  }
0xc3: {  	(tm) =	ssettm $0x7FFFFFFF  }
tec
execute0_lowered:
.L_overlay_start_1:
0x0: {  	(tag) =	ssettag $0x1  }
0x1: {  	s12 =	rddreg [dreg:$0x0]  }
0x2: {  	s7 =	rddreg [dreg:$0x1]  }
0x3: {  	s1 =	rddreg [dreg:$0x2];
	s2 =	srdreg.scid;
	s3 =	simm.s32 $0x0  }
0x4: {  	s19 =	simm.s32 $0x3;
	s20 =	simm.s32 $0x2800;
	s21 =	simm.s32 $0x6800  }
0x5: {  	s22 =	simm.s32 $0x1;
	s13 =	sand.u32 $0x1, s2;
	s2 =	stileid.u32  }
0x6: {  	s23 =	simm.s32 $0x80;
	s24 =	simm.s32 $0x2;
	s5 =	smul.u32 $0x4E000, s2  }
0x7: {  	s25 =	simm.s32 $0x0;
	[smem:$0x7FF] =	sst s3;
	s6 =	smul.u32 $0x2700, s2  }
0x8: {  	s14 =	sadd.s32 $0x9CAE00, s12;
	s11 =	sadd.s32 $0x66700, s12;
	s16 =	smul.u32 $0x1400000, s13  }
0x9: {  	s4 =	sshll.u32 s13, $0x4;
	_ =	strace $0x8000004A;
	s17 =	smul.u32 $0x140000, s2  }
0xa: {  	s8 =	ssub.s32 $0x2, s13;
	p4 =	seq.s32 s13, $0x1;
	s18 =	smul.u32 $0x280000, s13  }
0xb: {  	s29 =	smul.u32 $0x28000, s2;
	p0 =	seq.s32 s2, $0xF;
	s4 =	sor.u32 s2, s4  }
0xc: {  	s26 =	sshrl.u32 s8, $0x1;
	p1 =	por !p4, !p0;
	p2 =	por p4, !p0  }
0xd: {  	p3 =	por !p4, p0;
	p4 =	por p4, p0;
	s4 =	smul.u32 $0x2800, s4  }
0xe: {  	s5 =	sshrl.u32 s5, $0x2;
	s10 =	sadd.s32 s6, s12;
	s15 =	ssub.s32 s8, s26  }
0xf: {  	s28 =	sadd.s32 s17, s16;
	s30 =	sadd.s32 s18, s14;
	s17 =	sshll.u32 @!p0 s2, $0x6  }
0x10: {  	s13 =	smax.u32 s15, $0x1;
	s15 =	sshrl.u32 s28, $0x3;
	s31 =	sadd.s32 s29, s30  }
0x11: {  	s17 =	sor.u32 @!p0 $0x1C03, s17;
	s4 =	sshrl.u32 s4, $0x3;
	s14 =	sadd.s32 s15, s14  }
0x12: {  	s15 =	sadd.s32 $0x800, s31;
	s9 =	sadd.s32 s4, s12;
	s4 =	sadd.s32 s5, s1  }
0x13: {  	s5 =	sadd.s32 s7, s6;
	s6 =	sadd.s32 $0x124800, s1;
	s7 =	sadd.s32 $0x24900, s7  }
0x14: {  	s12 =	sadd.s32 $0xDBD00, s12;
	s8 =	sadd.s32 $0x6C00, s9;
	s9 =	sadd.s32 $0x41E00, s10  }
0x15: {  	s10 =	sadd.s32 $0xB7400, s10;
	s16 =	sshrl.u32 @p0 s6, $0x3;
	s18 =	sshrl.u32 @!p0 s4, $0x3  }
.LBB2_1:
0x16: {  	s26 =	simm.s32 @p0 $0x1FC3  }
0x17: {  	[spmem:s16], [sflag:s26] =	dma.local @p0 [hbm:s7], $0x2800  }
0x18: {  	s26 =	simm.s32 @p0 $0x3  }
0x19: {  	_ =	swait.ge @p0 [sflag:s26], $0x2800  }
0x1a: {  	[sflag:s26] =	ssyncset.done @p0 $0x0  }
0x1b: {  	[sflag:s26] =	ssyncadd.s32 @p0 $0xFFFFD800;
	s26 =	simm.s32 @!p0 $0x3  }
0x1c: {  	[spmem:s18], [sflag:s17] =	dma.local @!p0 [hbm:s5], $0x2700  }
0x1d: {  	_ =	swait.ge @!p0 [sflag:s26], $0x2700  }
0x1e: {  	[sflag:s26] =	ssyncset.done @!p0 $0x0  }
0x1f: {  	[sflag:s26] =	ssyncadd.s32 @!p0 $0xFFFFD900  }
0x20: {  	[tilespmem:s3], [sflag:$0x3] =	stream.linear.gather [hbm4b:s8+s3], $0x2800, $0x38;
	[tilespmem:$0x1E080] =	vst v63  }
0x21: {  	_ =	swait.ge [sflag:s19], $0x2800  }
0x22: {  	[sflag:s19] =	ssyncset.done $0x0  }
0x23: {  	[sflag:s19] =	ssyncadd.s32 $0xFFFFD800  }
0x24: {  	s0 =	sadd.s32 $0x0, s14;
	[bflag:$0x0] =	sbarrier.arrive $0xFFFF  }
0x25: {  	[tilespmem:s20], [sflag:$0x1] =	stream.linear.gather [hbm4b:s0+s3], $0x4000, $0x38;
	[tilespmem:$0x1E080] =	vst v63  }
0x26: {  	s30 =	sadd.s32 $0x0, s15  }
0x27: {  	[tilespmem:s21], [sflag:$0x2] =	stream.linear.gather [hbm4b:s30+s3], $0x4000, $0x38;
	[tilespmem:$0x1E080] =	vst v63  }
0x28: {  	_ =	swait.ge [sflag:s22], $0x4000  }
0x29: {  	[sflag:s22] =	ssyncset.done $0x0  }
0x2a: {  	[sflag:s22] =	ssyncadd.s32 $0xFFFFC000  }
0x2b: {  	[spmem:s1] =	stream.indirect.scatter.add.f32 [tilespmem:s20], [sflag:$0x3], $0x80, s3, s23, $0xb8;
	[tilespmem:$0x1E080] =	vst v63  }
0x2c: {  	_ =	swait.ge [sflag:s19], $0x4000  }
0x2d: {  	[sflag:s19] =	ssyncset.done $0x0  }
0x2e: {  	[sflag:s19] =	ssyncadd.s32 $0xFFFFC000  }
0x2f: {  	_ =	swait.ge [sflag:s24], $0x4000  }
0x30: {  	[sflag:s24] =	ssyncset.done $0x0  }
0x31: {  	s31 =	simm.s32 $0x80;
	[sflag:s24] =	ssyncadd.s32 $0xFFFFC000  }
0x32: {  	[spmem:s1] =	stream.indirect.scatter.add.f32 [tilespmem:s21], [sflag:$0x3], $0x80, s31, s23, $0xb8;
	[tilespmem:$0x1E080] =	vst v63  }
0x33: {  	s28 =	simm.s32 $0x1000;
	_ =	swait.ge [sflag:s19], $0x4000  }
0x34: {  	s29 =	simm.s32 $0x2000;
	s26 =	simm.s32 $0x100;
	[sflag:s19] =	ssyncset.done $0x0  }
.LBB2_2:
0x35: {  	s30 =	sadd.s32 s28, s14  }
0x36: {  	[sflag:s19] =	ssyncadd.s32 $0xFFFFC000;
	s31 =	smov.u32 s29;
	s0 =	sadd.s32 $0x1000, s29  }
0x37: {  	[tilespmem:s20], [sflag:$0x1] =	stream.linear.gather [hbm4b:s30+s3], $0x4000, $0x38;
	[tilespmem:$0x1E080] =	vst v63  }
0x38: {  	p5 =	sne.s32 s29, $0x27000;
	s29 =	sadd.s32 s28, s15;
	s28 =	smov.u32 s31  }
0x39: {  	[tilespmem:s21], [sflag:$0x2] =	stream.linear.gather [hbm4b:s29+s3], $0x4000, $0x38;
	[tilespmem:$0x1E080] =	vst v63  }
0x3a: {  	_ =	swait.ge [sflag:s22], $0x4000  }
0x3b: {  	[sflag:s22] =	ssyncset.done $0x0  }
0x3c: {  	[sflag:s22] =	ssyncadd.s32 $0xFFFFC000  }
0x3d: {  	[spmem:s1] =	stream.indirect.scatter.add.f32 [tilespmem:s20], [sflag:$0x3], $0x80, s26, s23, $0xb8;
	[tilespmem:$0x1E080] =	vst v63  }
0x3e: {  	_ =	swait.ge [sflag:s19], $0x4000  }
0x3f: {  	[sflag:s19] =	ssyncset.done $0x0  }
0x40: {  	[sflag:s19] =	ssyncadd.s32 $0xFFFFC000  }
0x41: {  	_ =	swait.ge [sflag:s24], $0x4000  }
.Ltmp0:
0x42: {  	[sflag:s24] =	ssyncset.done $0x0;
	(pc) =	sbr.rel @p5 .LBB2_2-.Ltmp0, $4  }
0x43: {  	s29 =	sadd.s32 $0x80, s26;
	[sflag:s24] =	ssyncadd.s32 $0xFFFFC000  }
0x44: {  	[spmem:s1] =	stream.indirect.scatter.add.f32 [tilespmem:s21], [sflag:$0x3], $0x80, s29, s23, $0xb8;
	[tilespmem:$0x1E080] =	vst v63  }
0x45: {  	_ =	swait.ge [sflag:s19], $0x4000  }
0x46: {  	s26 =	sadd.s32 $0x100, s26;
	s29 =	smov.u32 s0;
	[sflag:s19] =	ssyncset.done $0x0  }
0x47: {  	s0 =	sadd.s32 s28, s14;
	[sflag:s19] =	ssyncadd.s32 $0xFFFFC000  }
0x48: {  	[tilespmem:s20], [sflag:$0x1] =	stream.linear.gather [hbm4b:s0+s3], $0x4000, $0x38;
	[tilespmem:$0x1E080] =	vst v63  }
0x49: {  	s30 =	sadd.s32 s28, s15  }
0x4a: {  	[tilespmem:s21], [sflag:$0x2] =	stream.linear.gather [hbm4b:s30+s3], $0x4000, $0x38;
	[tilespmem:$0x1E080] =	vst v63  }
0x4b: {  	_ =	swait.ge [sflag:s22], $0x4000  }
0x4c: {  	[sflag:s22] =	ssyncset.done $0x0  }
0x4d: {  	[sflag:s22] =	ssyncadd.s32 $0xFFFFC000  }
0x4e: {  	[spmem:s1] =	stream.indirect.scatter.add.f32 [tilespmem:s20], [sflag:$0x3], $0x80, s26, s23, $0xb8;
	[tilespmem:$0x1E080] =	vst v63  }
0x4f: {  	_ =	swait.ge [sflag:s19], $0x4000  }
0x50: {  	[sflag:s19] =	ssyncset.done $0x0  }
0x51: {  	[sflag:s19] =	ssyncadd.s32 $0xFFFFC000  }
0x52: {  	_ =	swait.ge [sflag:s24], $0x4000  }
0x53: {  	[sflag:s24] =	ssyncset.done $0x0  }
0x54: {  	s31 =	sadd.s32 $0x80, s26;
	[sflag:s24] =	ssyncadd.s32 $0xFFFFC000  }
0x55: {  	[spmem:s1] =	stream.indirect.scatter.add.f32 [tilespmem:s21], [sflag:$0x3], $0x80, s31, s23, $0xb8;
	[tilespmem:$0x1E080] =	vst v63  }
0x56: {  	_ =	swait.ge [sflag:s19], $0x4000  }
0x57: {  	[sflag:s19] =	ssyncset.done $0x0  }
0x58: {  	[sflag:s19] =	ssyncadd.s32 $0xFFFFC000  }
0x59: {  	s0 =	sshrl.u32 @!p1 s6, $0x3;
	s26 =	simm.s32 @!p1 $0x1FC3;
	[bflag:$0x0] =	sbarrier.arrive $0xFFFF  }
0x5a: {  	[hbm:s12], [sflag:s26] =	dma.local @!p1 [spmem:s0], $0x2800  }
0x5b: {  	s0 =	simm.s32 @!p1 $0x3  }
0x5c: {  	_ =	swait.ge @!p1 [sflag:s0], $0x2800  }
0x5d: {  	[sflag:s0] =	ssyncset.done @!p1 $0x0  }
0x5e: {  	s26 =	simm.s32 @!p2 $0x1FC3;
	[sflag:s0] =	ssyncadd.s32 @!p1 $0xFFFFD800;
	s0 =	sshrl.u32 @!p2 s6, $0x3  }
0x5f: {  	[hbm:s11], [sflag:s26] =	dma.local @!p2 [spmem:s0], $0x2800  }
0x60: {  	s0 =	simm.s32 @!p2 $0x3  }
0x61: {  	_ =	swait.ge @!p2 [sflag:s0], $0x2800  }
0x62: {  	s26 =	sshll.u32 @!p3 s2, $0x6;
	[sflag:s0] =	ssyncset.done @!p2 $0x0  }
0x63: {  	[sflag:s0] =	ssyncadd.s32 @!p2 $0xFFFFD800;
	s0 =	sor.u32 @!p3 $0x1C03, s26;
	s26 =	sshrl.u32 @!p3 s4, $0x3  }
0x64: {  	[hbm:s10], [sflag:s0] =	dma.local @!p3 [spmem:s26], $0x2700  }
0x65: {  	s0 =	simm.s32 @!p3 $0x3  }
0x66: {  	s25 =	sadd.s32 $0x1, s25;
	_ =	swait.ge @!p3 [sflag:s0], $0x2700  }
0x67: {  	p5 =	sne.s32 s25, s13;
	s26 =	sshll.u32 @!p4 s2, $0x6;
	[sflag:s0] =	ssyncset.done @!p3 $0x0  }
0x68: {  	[sflag:s0] =	ssyncadd.s32 @!p3 $0xFFFFD900;
	s0 =	sor.u32 @!p4 $0x1C03, s26;
	s26 =	sshrl.u32 @!p4 s4, $0x3  }
0x69: {  	[hbm:s9], [sflag:s0] =	dma.local @!p4 [spmem:s26], $0x2700  }
.Ltmp1:
0x6a: {  	_ = 	snop;
	(pc) =	sbr.rel @p5 .LBB2_1-.Ltmp1, $4  }
0x6b: {  	s0 =	simm.s32 @!p4 $0x3  }
0x6c: {  	_ =	swait.ge @!p4 [sflag:s0], $0x2700  }
0x6d: {  	[sflag:s0] =	ssyncset.done @!p4 $0x0  }
0x6e: {  	[sflag:s0] =	ssyncadd.s32 @!p4 $0xFFFFD900  }
0x6f: {  	_ =	sfence.sel $0x180000  }
0x70: {  	[bflag:$0x0] =	sbarrier.arrive $0xFFFF  }
0x71: {  	_ =	strace $0x9000004A  }
0x72: {  	[bflag:$0x2] =	sbarrier.arrive $0xFFFF  }
0x73: {  	p0 =	sne.s32 s2, $0x0;
	s0 =	rddreg [dreg:$0x3]  }
0x74: {  	s0 =	sadd.s32 @!p0 $0x100000, s0  }
0x75: {  	[sflag:s0] =	ssyncadd.tile.s32 @!p0 $0x1;
	_ =	shalt  }
.Lfunc_end2:
_tile_overlayer_lowered:
.L_overlay_start_2:
0x76: {  	(tag) =	ssettag $0x2  }
0x77: {  	s0 =	rddreg [dreg:$0x0];
	s2 =	stileid.u32  }
0x78: {  	s1 =	rddreg [dreg:$0x1];
	p0 =	sne.s32 s2, $0x0  }
0x79: {  	s3 =	rddreg [dreg:$0x2];
	[bflag:$0x3] =	sbarrier.arrive $0xFFFF;
	s2 =	simm.s32 @!p0 $0x1C03  }
0x7a: {  	[timem:s3], [sflag:s2] =	dma.local @!p0 [hbm:s0], s1  }
0x7b: {  	s0 =	simm.s32 @!p0 $0x3  }
0x7c: {  	_ =	swait.ge @!p0 [sflag:s0], s1  }
0x7d: {  	s1 =	ssub.s32 @!p0 $0x0, s1;
	[sflag:s0] =	ssyncset.done @!p0 $0x0  }
0x7e: {  	[sflag:s0] =	ssyncadd.s32 @!p0 s1  }
0x7f: {  	[bflag:$0x3] =	sbarrier.arrive $0xFFFF  }
0x80: {  	_ =	shalt  }

// kernel: kernel.15.cloned.1.call-start
scs
__scs_entry_jumppad:
0x0: {  	(pc) =	sbr.rel $0x88, $3  }
0x1: {  	(tag) =	ssettag $0x0;
	lr =	simm.s32 $0x1  }
0x2: {  	[smem:$0x3F86] =	sst lr;
	_ =	strace $0xD0000000  }
0x3: {  	_ = 	snop  }
0x4: {  	_ = 	snop  }
0x5: {  	_ = 	snop  }
0x6: {  	_ = 	snop  }
0x7: {  	_ = 	snop  }
__scs_overlays_trampoline_lowered:
0x8: {  	[smem:$0x3F95] =	sst s0  }
0x9: {  	[smem:$0x3F96] =	sst s1  }
0xa: {  	[smem:$0x3F97] =	sst s2  }
0xb: {  	[smem:$0x3F98] =	sst s3  }
0xc: {  	[smem:$0x3F99] =	sst s4  }
0xd: {  	[smem:$0x3F9A] =	sst s5  }
0xe: {  	[smem:$0x3F9B] =	sst s6  }
0xf: {  	[smem:$0x3F9C] =	sst s7  }
0x10: {  	[smem:$0x3F9D] =	sst s8  }
0x11: {  	[smem:$0x3F9E] =	sst s9;
	s0 =	simm.s32 @!p0 $0x0  }
0x12: {  	s1 =	sld [smem:$0x3F84];
	s0 =	simm.s32 @p0 $0x1  }
0x13: {  	[smem:$0x3F9F] =	sst s0;
	s0 =	simm.s32 @!p1 $0x0  }
0x14: {  	s2 =	sld [smem:$0x3F83];
	s0 =	simm.s32 @p1 $0x1  }
0x15: {  	[smem:$0x3FA0] =	sst s0;
	s0 =	simm.s32 @!p2 $0x0  }
0x16: {  	s3 =	sld [smem:$0x3FDB];
	s0 =	simm.s32 @p2 $0x1  }
0x17: {  	s4 =	simm.s32 $0x1BF5;
	[smem:$0x3FA2] =	sst s0  }
0x18: {  	s0 =	sld [smem:$0x3F85];
	_ =	swait.ge [sflag:s4], $0x0  }
0x19: {  	s7 =	sld [smem:$0x3F86]  }
0x1a: {  	s8 =	sadd.s32 $0xFFFFE003, lr  }
0x1b: {  	s9 =	sadd.s32 $0xFFFFFEF7, lr;
	s5 =	simm.s32 $0xFFFFFFFF;
	p2 =	slt.u32 s8, $0xFFFFF086  }
0x1c: {  	p1 =	slt.u32 s9, $0xF7A;
	s5 =	simm.s32 @!p2 $0x0  }
0x1d: {  	s5 =	simm.s32 @p1 $0x1;
	p0 =	seq.s32 s7, s2  }
0x1e: {  	s7 =	smul.u32 @!p0 $0xF7A, s2;
	p2 =	seq.s32 @!p0 s5, $0x0  }
0x1f: {  	s9 =	smul.u32 $0xF7A, s1;
	s8 =	simm.s32 @!p0 $0x1BF5;
	p2 =	por !p2, p0  }
0x20: {  	[sflag:s8] =	ssyncset.s32 @!p0 $0xFFFFF086;
	s6 =	sadd.s32 @!p0 s3, s7;
	s7 =	simm.s32 @!p0 $0x108  }
0x21: {  	s3 =	sadd.s32 s3, s9;
	s6 =	sadd.s32 @!p0 $0x88, s6;
	s7 =	simm.s32 @p2 $0x1082  }
0x22: {  	[simem:s7], [sflag:s8] =	dma.local @!p0 [hbm:s6], $0xF7A  }
0x23: {  	s9 =	sor.u32 $0xD0000000, s2;
	s6 =	simm.s32 $0x108;
	_ =	swait.ge @!p0 [sflag:s8], $0x0  }
0x24: {  	s3 =	sadd.s32 $0x88, s3;
	s6 =	simm.s32 @!p1 $0x1082;
	[sflag:s4] =	ssyncset.s32 $0xFFFFF086  }
0x25: {  	[simem:s6], [sflag:s4] =	dma.local [hbm:s3], $0xF7A  }
0x26: {  	[smem:$0x3F86] =	sst s1;
	(tag) =	ssettag s2;
	_ =	strace s9  }
0x27: {  	s1 =	sld [smem:$0x3F96]  }
0x28: {  	s2 =	sld [smem:$0x3F97]  }
0x29: {  	s4 =	sld [smem:$0x3F99]  }
0x2a: {  	p0 =	seq.s32 s5, $0x0;
	s5 =	sld [smem:$0x3F9A]  }
0x2b: {  	s6 =	sld [smem:$0x3F9B]  }
0x2c: {  	s7 =	sld [smem:$0x3F9C]  }
0x2d: {  	s3 =	simm.s32 $0x108;
	s8 =	sld [smem:$0x3F9D]  }
0x2e: {  	s3 =	simm.s32 @!p0 $0x1082;
	s9 =	sld [smem:$0x3F9E]  }
0x2f: {  	lr =	sadd.s32 s0, s3;
	s0 =	sld [smem:$0x3F95]  }
0x30: {  	s3 =	sld [smem:$0x3F98]  }
0x31: {  	[smem:$0x3FA1] =	sst s10  }
0x32: {  	s10 =	sld [smem:$0x3F9F];
	_ =	sdelay $0x3  }
0x33: {  	p0 =	seq.s32 s10, $0x1;
	s10 =	sld [smem:$0x3FA1];
	_ =	sdelay $0x3  }
0x34: {  	[smem:$0x3FA1] =	sst s10  }
0x35: {  	s10 =	sld [smem:$0x3FA0];
	_ =	sdelay $0x3  }
0x36: {  	p1 =	seq.s32 s10, $0x1;
	s10 =	sld [smem:$0x3FA1];
	_ =	sdelay $0x3  }
0x37: {  	[smem:$0x3FA1] =	sst s10  }
0x38: {  	s10 =	sld [smem:$0x3FA2]  }
0x39: {  	_ = 	snop;
	(pc) =	sbr.ind lr, $3  }
0x3a: {  	_ = 	snop  }
0x3b: {  	_ = 	snop  }
0x3c: {  	p2 =	seq.s32 s10, $0x1;
	s10 =	sld [smem:$0x3FA1]  }
0x3d: {  	_ =	shalt  }
0x3e: {  	_ =	shalt  }
0x3f: {  	_ =	shalt  }
0x40: {  	_ =	shalt  }
0x41: {  	_ =	shalt  }
0x42: {  	_ =	shalt  }
0x43: {  	_ =	shalt  }
0x44: {  	_ =	shalt  }
0x45: {  	_ =	shalt  }
0x46: {  	_ =	shalt  }
0x47: {  	_ =	shalt  }
0x48: {  	_ =	shalt  }
0x49: {  	_ =	shalt  }
0x4a: {  	_ =	shalt  }
0x4b: {  	_ =	shalt  }
0x4c: {  	_ =	shalt  }
0x4d: {  	_ =	shalt  }
0x4e: {  	_ =	shalt  }
0x4f: {  	_ =	shalt  }
0x50: {  	_ =	shalt  }
0x51: {  	_ =	shalt  }
0x52: {  	_ =	shalt  }
0x53: {  	_ =	shalt  }
0x54: {  	_ =	shalt  }
0x55: {  	_ =	shalt  }
0x56: {  	_ =	shalt  }
0x57: {  	_ =	shalt  }
0x58: {  	_ =	shalt  }
0x59: {  	_ =	shalt  }
0x5a: {  	_ =	shalt  }
0x5b: {  	_ =	shalt  }
0x5c: {  	_ =	shalt  }
0x5d: {  	_ =	shalt  }
0x5e: {  	_ =	shalt  }
0x5f: {  	_ =	shalt  }
0x60: {  	_ =	shalt  }
0x61: {  	_ =	shalt  }
0x62: {  	_ =	shalt  }
0x63: {  	_ =	shalt  }
0x64: {  	_ =	shalt  }
0x65: {  	_ =	shalt  }
0x66: {  	_ =	shalt  }
0x67: {  	_ =	shalt  }
0x68: {  	_ =	shalt  }
0x69: {  	_ =	shalt  }
0x6a: {  	_ =	shalt  }
0x6b: {  	_ =	shalt  }
0x6c: {  	_ =	shalt  }
0x6d: {  	_ =	shalt  }
0x6e: {  	_ =	shalt  }
0x6f: {  	_ =	shalt  }
0x70: {  	_ =	shalt  }
0x71: {  	_ =	shalt  }
0x72: {  	_ =	shalt  }
0x73: {  	_ =	shalt  }
0x74: {  	_ =	shalt  }
0x75: {  	_ =	shalt  }
0x76: {  	_ =	shalt  }
0x77: {  	_ =	shalt  }
0x78: {  	_ =	shalt  }
0x79: {  	_ =	shalt  }
0x7a: {  	_ =	shalt  }
0x7b: {  	_ =	shalt  }
0x7c: {  	_ =	shalt  }
0x7d: {  	_ =	shalt  }
0x7e: {  	_ =	shalt  }
0x7f: {  	_ =	shalt  }
0x80: {  	_ =	shalt  }
0x81: {  	_ =	shalt  }
0x82: {  	_ =	shalt  }
0x83: {  	_ =	shalt  }
0x84: {  	_ =	shalt  }
0x85: {  	_ =	shalt  }
0x86: {  	_ =	shalt  }
0x87: {  	_ =	shalt  }
.Lfunc_end0:
.L_simem_size_0:
called_computation.2_lowered:
.L_overlay_start_0:
0x88: {  	s2 =	sld [smem:$0x3FD9]  }
0x89: {  	s3 =	sld [smem:$0x3FFE];
	_ =	sdelay $0x1  }
0x8a: {  	s1 =	srdreg.scid  }
0x8b: {  	s0 =	sand.u32 $0x1, s1  }
0x8c: {  	s17 =	sshll.u32 s0, $0xA;
	s2 =	sadd.s32 s3, s2  }
0x8d: {  	s2 =	sadd.s32 s2, s17  }
0x8e: {  	[smem:$0x3FAD] =	sst s2  }
0x8f: {  	_ = 	snop  }
0x90: {  	s2 =	sld [smem:$0x3FD0];
	(tm) =	ssettm $0x1  }
0x91: {  	s18 =	sld [smem:$0x3FFB];
	_ =	sdelay $0x3  }
0x92: {  	_ =	strace s18  }
0x93: {  	s3 =	sld [smem:$0x3FFC];
	_ =	sdelay $0x3  }
0x94: {  	_ =	strace s3  }
0x95: {  	s3 =	sld [smem:$0x3FFD];
	_ =	sdelay $0x3  }
0x96: {  	_ =	strace s3  }
0x97: {  	_ =	strace $0x8FFFFFFF  }
0x98: {  	s19 =	sld [smem:$0x3FDB];
	_ =	sdelay $0x1  }
0x99: {  	s4 =	simm.s32 $_scs_section_size  }
0x9a: {  	s5 =	simm.s32 $_size__tile_overlayer_lowered;
	s6 =	simm.s32 $_tile_overlayer_lowered  }
0x9b: {  	s22 =	simm.s32 $0x1BFF;
	s21 =	sshll.u32 s6, $0x1;
	s3 =	sadd.s32 s4, s19  }
0x9c: {  	s7 =	simm.s32 $0x0;
	s20 =	sshll.u32 s5, $0x1;
	s5 =	sadd.s32 s21, s3  }
0x9d: {  	[timem:s7], [sflag:s22] =	dma.local [hbm:s5], s20  }
0x9e: {  	_ =	swait.ge [sflag:s22], s20  }
0x9f: {  	s4 =	ssub.s32 $0x0, s20;
	[sflag:s22] =	ssyncset.done $0x0  }
0xa0: {  	[sflag:s22] =	ssyncadd.s32 s4;
	_ =	sdelay $0x1  }
0xa1: {  	s23 =	simm.s32 $0x1B8B  }
0xa2: {  	_ =	swait.ge [sflag:s23], $0x1  }
0xa3: {  	[sflag:s23] =	ssyncset.done $0x0  }
0xa4: {  	s25 =	simm.s32 $0x1B8E;
	s24 =	sld [smem:$0x3FFE];
	[sflag:s23] =	ssyncadd.s32 $0xFFFFFFFF  }
0xa5: {  	s26 =	simm.s32 $execute0_lowered;
	[smem:$0x3FD2] =	sst s25  }
0xa6: {  	s5 =	sshll.u32 s26, $0x1;
	_ =	strace $0x8000004C;
	[dreg:$0x1] =	wrdreg $0xFFFFFFFF  }
0xa7: {  	s28 =	simm.s32 $_size_execute0_lowered;
	s3 =	sadd.s32 s3, s5;
	[dreg:$0x0] =	wrdreg $0x0  }
0xa8: {  	s5 =	sshll.u32 s28, $0x1;
	[dreg:$0x2] =	wrdreg s3  }
0xa9: {  	[dreg:$0x3] =	wrdreg s5  }
0xaa: {  	[dreg:$0x4] =	wrdreg $0xC0  }
0xab: {  	_ =	task [dreg:s7], $0x5FFFF  }
0xac: {  	[dreg:$0x1] =	wrdreg $0xFFFFFFFF  }
0xad: {  	[dreg:$0x0] =	wrdreg $0x60  }
0xae: {  	[dreg:$0x2] =	wrdreg s2  }
0xaf: {  	[dreg:$0x3] =	wrdreg s24  }
0xb0: {  	[dreg:$0x4] =	wrdreg $0xA9000  }
0xb1: {  	[dreg:$0x5] =	wrdreg $0x9  }
0xb2: {  	_ =	task.clear_ibuf [dreg:s7], $0x6FFFF;
	_ =	strace $0x9000004C  }
0xb3: {  	s29 =	simm.s32 $0x9;
	_ =	strace $0x8000004E  }
0xb4: {  	_ =	swait.ge [sflag:s29], $0x1  }
0xb5: {  	[sflag:s29] =	ssyncadd.s32 $0xFFFFFFFF  }
0xb6: {  	_ =	strace $0x9000004E  }
0xb7: {  	_ =	sfence  }
0xb8: {  	s30 =	sld [smem:$0x0];
	_ =	sdelay $0x2  }
0xb9: {  	s31 =	sshll.u32 s1, $0xD;
	s1 =	sshrl.u32 s1, $0x2  }
0xba: {  	s3 =	sand.u32 $0x4000, s31;
	s1 =	sadd.s32 s1, s30  }
0xbb: {  	s0 =	sor.u32 s3, s0;
	s1 =	sshll.u32 s1, $0x11  }
0xbc: {  	s0 =	sor.u32 s1, s0  }
0xbd: {  	s0 =	sadd.s32 $0x8F2B, s0  }
0xbe: {  	[sflag:s0] =	ssyncadd.remote.s32 $0x1  }
0xbf: {  	_ =	sfence.sel $0xFFFF  }
0xc0: {  	[dreg:$0x0] =	wrdreg $0xFFFFFFFF;
	(pc) =	sbr.abs _section_cstart, $3  }
0xc1: {  	[dreg:$0x1] =	wrdreg $0xFFFFFFFF  }
0xc2: {  	_ =	task.clear_ibuf [dreg:s7], $0x2FFFF;
	_ =	strace $0x9FFFFFFF  }
0xc3: {  	(tm) =	ssettm $0x7FFFFFFF  }
tec
execute0_lowered:
.L_overlay_start_1:
0x0: {  	(tag) =	ssettag $0x1  }
0x1: {  	s0 =	rddreg [dreg:$0x0]  }
0x2: {  	s2 =	rddreg [dreg:$0x1]  }
0x3: {  	s1 =	srdreg.scid;
	s3 =	rddreg [dreg:$0x2]  }
0x4: {  	s17 =	stileid.u32;
	s4 =	simm.s32 $0x0;
	s28 =	simm.s32 $0x3  }
0x5: {  	s29 =	simm.s32 $0x2;
	s30 =	simm.s32 $0x4;
	s31 =	simm.s32 $0x0  }
0x6: {  	s1 =	sand.u32 $0x1, s1;
	[smem:$0x7FF] =	sst s4;
	s6 =	smul.u32 $0x2700, s17  }
0x7: {  	s8 =	smul.u32 $0x4E000, s17;
	s16 =	sadd.s32 $0x10C00, s2;
	s23 =	sadd.s32 $0x3F500, s2  }
0x8: {  	s15 =	smul.u32 $0x2800, s17;
	s12 =	sadd.s32 $0x66700, s2;
	p0 =	seq.s32 s17, $0xF  }
0x9: {  	s5 =	sshll.u32 s1, $0x4;
	_ =	strace $0x8000004D;
	s7 =	ssub.s32 $0x2, s1  }
0xa: {  	s13 =	smul.u32 $0x28000, s1;
	[dreg:$0x5] =	wrdreg s23;
	p4 =	seq.s32 s1, $0x1  }
0xb: {  	s23 =	simm.s32 $0x2800;
	s5 =	sor.u32 s17, s5;
	s20 =	sshrl.u32 s7, $0x1  }
0xc: {  	s6 =	sadd.s32 s6, s2;
	s21 =	sshrl.u32 s8, $0x2;
	p1 =	por !p4, !p0  }
0xd: {  	p2 =	por p4, !p0;
	p3 =	por !p4, p0;
	p4 =	por p4, p0  }
0xe: {  	s5 =	smul.u32 $0x2800, s5;
	s14 =	ssub.s32 s7, s20;
	s22 =	sadd.s32 $0x1AC00, s6  }
0xf: {  	s7 =	sadd.s32 $0x124800, s3;
	s10 =	sadd.s32 $0x41E00, s6;
	s11 =	sadd.s32 $0x69000, s6  }
0x10: {  	s25 =	sadd.s32 s15, s13;
	s13 =	sadd.s32 $0x8D900, s2;
	s20 =	simm.s32 $0x5  }
0x11: {  	[dreg:$0x4] =	wrdreg s22;
	s14 =	smax.u32 s14, $0x1;
	s26 =	sor.u32 $0x80, s25  }
0x12: {  	s1 =	sshrl.u32 s25, $0x3;
	s22 =	simm.s32 $0x2900;
	s5 =	sshrl.u32 s5, $0x3  }
0x13: {  	s25 =	simm.s32 $0x2880;
	s9 =	sadd.s32 s5, s2;
	s5 =	sadd.s32 s21, s3  }
0x14: {  	s2 =	sshrl.u32 s26, $0x3;
	s21 =	simm.s32 $0x80;
	s26 =	simm.s32 $0x1  }
0x15: {  	s24 =	sadd.s32 $0x6C00, s9;
	s15 =	sadd.s32 s2, s16;
	s16 =	sadd.s32 s1, s16  }
0x16: {  	s1 =	sshll.u32 @!p0 s17, $0x6;
	s17 =	sshrl.u32 @p0 s7, $0x3;
	s19 =	sshrl.u32 @!p0 s5, $0x3  }
0x17: {  	[dreg:$0x6] =	wrdreg s24;
	s18 =	sor.u32 @!p0 $0x1C05, s1;
	s24 =	simm.s32 $0x6900  }
.LBB2_1:
0x18: {  	s1 =	simm.s32 @p0 $0x1FC5;
	s2 =	rddreg [dreg:$0x5]  }
0x19: {  	[spmem:s17], [sflag:s1] =	dma.local @p0 [hbm:s2], $0x2800  }
0x1a: {  	s1 =	simm.s32 @p0 $0x5  }
0x1b: {  	_ =	swait.ge @p0 [sflag:s1], $0x2800  }
0x1c: {  	[sflag:s1] =	ssyncset.done @p0 $0x0  }
0x1d: {  	[sflag:s1] =	ssyncadd.s32 @p0 $0xFFFFD800;
	s1 =	rddreg [dreg:$0x4]  }
0x1e: {  	[spmem:s19], [sflag:s18] =	dma.local @!p0 [hbm:s1], $0x2700  }
0x1f: {  	s1 =	simm.s32 @!p0 $0x5  }
0x20: {  	_ =	swait.ge @!p0 [sflag:s1], $0x2700  }
0x21: {  	[sflag:s1] =	ssyncset.done @!p0 $0x0  }
0x22: {  	s2 =	rddreg [dreg:$0x6];
	[sflag:s1] =	ssyncadd.s32 @!p0 $0xFFFFD900  }
0x23: {  	[tilespmem:s4], [sflag:$0x5] =	stream.linear.gather [hbm4b:s2+s4], $0x2800, $0x38;
	[tilespmem:$0x1E200] =	vst v63  }
0x24: {  	_ =	swait.ge [sflag:s20], $0x2800  }
0x25: {  	[sflag:s20] =	ssyncset.done $0x0  }
0x26: {  	[sflag:s20] =	ssyncadd.s32 $0xFFFFD800  }
0x27: {  	s6 =	simm.s32 $0x0;
	[bflag:$0x0] =	sbarrier.arrive $0xFFFF  }
0x28: {  	[tilespmem:s22], [sflag:$0x1] =	stream.indirect.gather [hbm4b:s0+s21], $0x80, s6, s21, $0xb8;
	[tilespmem:$0x1E200] =	vst v63  }
0x29: {  	s8 =	sadd.s32 $0x0, s16  }
0x2a: {  	[tilespmem:s23], [sflag:$0x3] =	stream.linear.gather [hbm4b:s8+s4], $0x80, $0x38;
	[tilespmem:$0x1E200] =	vst v63  }
0x2b: {  	_ = 	snop  }
0x2c: {  	[tilespmem:s24], [sflag:$0x2] =	stream.indirect.gather [hbm4b:s0+s21], $0x80, s21, s21, $0xb8;
	[tilespmem:$0x1E200] =	vst v63  }
0x2d: {  	s9 =	sadd.s32 $0x0, s15  }
0x2e: {  	[tilespmem:s25], [sflag:$0x4] =	stream.linear.gather [hbm4b:s9+s4], $0x80, $0x38;
	[tilespmem:$0x1E200] =	vst v63  }
0x2f: {  	_ =	swait.ge [sflag:s26], $0x4000  }
0x30: {  	[sflag:s26] =	ssyncset.done $0x0  }
0x31: {  	[sflag:s26] =	ssyncadd.s32 $0xFFFFC000  }
0x32: {  	_ =	swait.ge [sflag:s28], $0x80  }
0x33: {  	[sflag:s28] =	ssyncset.done $0x0  }
0x34: {  	[sflag:s28] =	ssyncadd.s32 $0xFFFFFF80  }
0x35: {  	[spmem:s3] =	stream.indirect.scatter.add.f32 [tilespmem:s22], [sflag:$0x5], $0x80, s23, s21, $0xb8;
	[tilespmem:$0x1E200] =	vst v63  }
0x36: {  	_ =	swait.ge [sflag:s20], $0x4000  }
0x37: {  	[sflag:s20] =	ssyncset.done $0x0  }
0x38: {  	[sflag:s20] =	ssyncadd.s32 $0xFFFFC000  }
0x39: {  	_ =	swait.ge [sflag:s29], $0x4000  }
0x3a: {  	[sflag:s29] =	ssyncset.done $0x0  }
0x3b: {  	[sflag:s29] =	ssyncadd.s32 $0xFFFFC000  }
0x3c: {  	_ =	swait.ge [sflag:s30], $0x80  }
0x3d: {  	[sflag:s30] =	ssyncset.done $0x0  }
0x3e: {  	[sflag:s30] =	ssyncadd.s32 $0xFFFFFF80  }
0x3f: {  	[spmem:s3] =	stream.indirect.scatter.add.f32 [tilespmem:s24], [sflag:$0x5], $0x80, s25, s21, $0xb8;
	[tilespmem:$0x1E200] =	vst v63  }
0x40: {  	s1 =	simm.s32 $0x20;
	_ =	swait.ge [sflag:s20], $0x4000  }
0x41: {  	s2 =	simm.s32 $0x180;
	s6 =	simm.s32 $0x40;
	[sflag:s20] =	ssyncset.done $0x0  }
.LBB2_2:
0x42: {  	p5 =	sne.s32 s6, $0x4E0;
	s8 =	sadd.s32 $0xFFFFFF80, s2;
	[sflag:s20] =	ssyncadd.s32 $0xFFFFC000  }
0x43: {  	[tilespmem:s22], [sflag:$0x1] =	stream.indirect.gather [hbm4b:s0+s21], $0x80, s8, s21, $0xb8;
	[tilespmem:$0x1E200] =	vst v63  }
0x44: {  	s9 =	smov.u32 s6;
	s6 =	sadd.s32 $0x20, s6;
	s8 =	sadd.s32 s1, s16  }
0x45: {  	[tilespmem:s23], [sflag:$0x3] =	stream.linear.gather [hbm4b:s8+s4], $0x80, $0x38;
	[tilespmem:$0x1E200] =	vst v63  }
0x46: {  	_ = 	snop  }
0x47: {  	[tilespmem:s24], [sflag:$0x2] =	stream.indirect.gather [hbm4b:s0+s21], $0x80, s2, s21, $0xb8;
	[tilespmem:$0x1E200] =	vst v63  }
0x48: {  	s8 =	sadd.s32 s1, s15;
	s1 =	smov.u32 s9  }
0x49: {  	[tilespmem:s25], [sflag:$0x4] =	stream.linear.gather [hbm4b:s8+s4], $0x80, $0x38;
	[tilespmem:$0x1E200] =	vst v63  }
0x4a: {  	_ =	swait.ge [sflag:s26], $0x4000  }
0x4b: {  	[sflag:s26] =	ssyncset.done $0x0  }
0x4c: {  	[sflag:s26] =	ssyncadd.s32 $0xFFFFC000  }
0x4d: {  	_ =	swait.ge [sflag:s28], $0x80  }
0x4e: {  	[sflag:s28] =	ssyncset.done $0x0  }
0x4f: {  	[sflag:s28] =	ssyncadd.s32 $0xFFFFFF80  }
0x50: {  	[spmem:s3] =	stream.indirect.scatter.add.f32 [tilespmem:s22], [sflag:$0x5], $0x80, s23, s21, $0xb8;
	[tilespmem:$0x1E200] =	vst v63  }
0x51: {  	_ =	swait.ge [sflag:s20], $0x4000  }
0x52: {  	[sflag:s20] =	ssyncset.done $0x0  }
0x53: {  	[sflag:s20] =	ssyncadd.s32 $0xFFFFC000  }
0x54: {  	_ =	swait.ge [sflag:s29], $0x4000  }
0x55: {  	[sflag:s29] =	ssyncset.done $0x0  }
0x56: {  	[sflag:s29] =	ssyncadd.s32 $0xFFFFC000  }
0x57: {  	_ =	swait.ge [sflag:s30], $0x80  }
.Ltmp0:
0x58: {  	[sflag:s30] =	ssyncset.done $0x0;
	(pc) =	sbr.rel @p5 .LBB2_2-.Ltmp0, $4  }
0x59: {  	[sflag:s30] =	ssyncadd.s32 $0xFFFFFF80  }
0x5a: {  	[spmem:s3] =	stream.indirect.scatter.add.f32 [tilespmem:s24], [sflag:$0x5], $0x80, s25, s21, $0xb8;
	[tilespmem:$0x1E200] =	vst v63  }
0x5b: {  	_ =	swait.ge [sflag:s20], $0x4000  }
0x5c: {  	s2 =	sadd.s32 $0x100, s2;
	[sflag:s20] =	ssyncset.done $0x0  }
0x5d: {  	s6 =	sadd.s32 $0xFFFFFF80, s2;
	[sflag:s20] =	ssyncadd.s32 $0xFFFFC000  }
0x5e: {  	[tilespmem:s22], [sflag:$0x1] =	stream.indirect.gather [hbm4b:s0+s21], $0x80, s6, s21, $0xb8;
	[tilespmem:$0x1E200] =	vst v63  }
0x5f: {  	s8 =	sadd.s32 s1, s16  }
0x60: {  	[tilespmem:s23], [sflag:$0x3] =	stream.linear.gather [hbm4b:s8+s4], $0x80, $0x38;
	[tilespmem:$0x1E200] =	vst v63  }
0x61: {  	_ = 	snop  }
0x62: {  	[tilespmem:s24], [sflag:$0x2] =	stream.indirect.gather [hbm4b:s0+s21], $0x80, s2, s21, $0xb8;
	[tilespmem:$0x1E200] =	vst v63  }
0x63: {  	s9 =	sadd.s32 s1, s15  }
0x64: {  	[tilespmem:s25], [sflag:$0x4] =	stream.linear.gather [hbm4b:s9+s4], $0x80, $0x38;
	[tilespmem:$0x1E200] =	vst v63  }
0x65: {  	_ =	swait.ge [sflag:s26], $0x4000  }
0x66: {  	[sflag:s26] =	ssyncset.done $0x0  }
0x67: {  	[sflag:s26] =	ssyncadd.s32 $0xFFFFC000  }
0x68: {  	_ =	swait.ge [sflag:s28], $0x80  }
0x69: {  	[sflag:s28] =	ssyncset.done $0x0  }
0x6a: {  	[sflag:s28] =	ssyncadd.s32 $0xFFFFFF80  }
0x6b: {  	[spmem:s3] =	stream.indirect.scatter.add.f32 [tilespmem:s22], [sflag:$0x5], $0x80, s23, s21, $0xb8;
	[tilespmem:$0x1E200] =	vst v63  }
0x6c: {  	_ =	swait.ge [sflag:s20], $0x4000  }
0x6d: {  	[sflag:s20] =	ssyncset.done $0x0  }
0x6e: {  	[sflag:s20] =	ssyncadd.s32 $0xFFFFC000  }
0x6f: {  	_ =	swait.ge [sflag:s29], $0x4000  }
0x70: {  	[sflag:s29] =	ssyncset.done $0x0  }
0x71: {  	[sflag:s29] =	ssyncadd.s32 $0xFFFFC000  }
0x72: {  	_ =	swait.ge [sflag:s30], $0x80  }
0x73: {  	[sflag:s30] =	ssyncset.done $0x0  }
0x74: {  	[sflag:s30] =	ssyncadd.s32 $0xFFFFFF80  }
0x75: {  	[spmem:s3] =	stream.indirect.scatter.add.f32 [tilespmem:s24], [sflag:$0x5], $0x80, s25, s21, $0xb8;
	[tilespmem:$0x1E200] =	vst v63  }
0x76: {  	_ =	swait.ge [sflag:s20], $0x4000  }
0x77: {  	[sflag:s20] =	ssyncset.done $0x0  }
0x78: {  	[sflag:s20] =	ssyncadd.s32 $0xFFFFC000  }
0x79: {  	s1 =	sshrl.u32 @!p1 s7, $0x3;
	s2 =	simm.s32 @!p1 $0x1FC5;
	[bflag:$0x0] =	sbarrier.arrive $0xFFFF  }
0x7a: {  	[hbm:s13], [sflag:s2] =	dma.local @!p1 [spmem:s1], $0x2800  }
0x7b: {  	s1 =	simm.s32 @!p1 $0x5  }
0x7c: {  	_ =	swait.ge @!p1 [sflag:s1], $0x2800  }
0x7d: {  	[sflag:s1] =	ssyncset.done @!p1 $0x0  }
0x7e: {  	s2 =	simm.s32 @!p2 $0x1FC5;
	[sflag:s1] =	ssyncadd.s32 @!p1 $0xFFFFD800;
	s1 =	sshrl.u32 @!p2 s7, $0x3  }
0x7f: {  	[hbm:s12], [sflag:s2] =	dma.local @!p2 [spmem:s1], $0x2800  }
0x80: {  	s1 =	simm.s32 @!p2 $0x5  }
0x81: {  	s8 =	stileid.u32;
	_ =	swait.ge @!p2 [sflag:s1], $0x2800  }
0x82: {  	s2 =	sshll.u32 @!p3 s8, $0x6;
	[sflag:s1] =	ssyncset.done @!p2 $0x0  }
0x83: {  	[sflag:s1] =	ssyncadd.s32 @!p2 $0xFFFFD800;
	s1 =	sor.u32 @!p3 $0x1C05, s2;
	s2 =	sshrl.u32 @!p3 s5, $0x3  }
0x84: {  	[hbm:s11], [sflag:s1] =	dma.local @!p3 [spmem:s2], $0x2700  }
0x85: {  	s1 =	simm.s32 @!p3 $0x5  }
0x86: {  	s31 =	sadd.s32 $0x1, s31;
	_ =	swait.ge @!p3 [sflag:s1], $0x2700  }
0x87: {  	p5 =	sne.s32 s31, s14;
	s2 =	sshll.u32 @!p4 s8, $0x6;
	[sflag:s1] =	ssyncset.done @!p3 $0x0  }
0x88: {  	[sflag:s1] =	ssyncadd.s32 @!p3 $0xFFFFD900;
	s1 =	sor.u32 @!p4 $0x1C05, s2;
	s2 =	sshrl.u32 @!p4 s5, $0x3  }
0x89: {  	[hbm:s10], [sflag:s1] =	dma.local @!p4 [spmem:s2], $0x2700  }
.Ltmp1:
0x8a: {  	_ = 	snop;
	(pc) =	sbr.rel @p5 .LBB2_1-.Ltmp1, $4  }
0x8b: {  	s1 =	simm.s32 @!p4 $0x5  }
0x8c: {  	_ =	swait.ge @!p4 [sflag:s1], $0x2700  }
0x8d: {  	[sflag:s1] =	ssyncset.done @!p4 $0x0  }
0x8e: {  	s6 =	stileid.u32;
	[sflag:s1] =	ssyncadd.s32 @!p4 $0xFFFFD900  }
0x8f: {  	_ =	sfence.sel $0x180000  }
0x90: {  	[bflag:$0x0] =	sbarrier.arrive $0xFFFF  }
0x91: {  	_ =	strace $0x9000004D  }
0x92: {  	[bflag:$0x2] =	sbarrier.arrive $0xFFFF  }
0x93: {  	p0 =	sne.s32 s6, $0x0;
	s0 =	rddreg [dreg:$0x3]  }
0x94: {  	s0 =	sadd.s32 @!p0 $0x100000, s0  }
0x95: {  	[sflag:s0] =	ssyncadd.tile.s32 @!p0 $0x1;
	_ =	shalt  }
.Lfunc_end2:
_tile_overlayer_lowered:
.L_overlay_start_2:
0x96: {  	(tag) =	ssettag $0x2  }
0x97: {  	s0 =	rddreg [dreg:$0x0];
	s2 =	stileid.u32  }
0x98: {  	s1 =	rddreg [dreg:$0x1];
	p0 =	sne.s32 s2, $0x0  }
0x99: {  	s3 =	rddreg [dreg:$0x2];
	[bflag:$0x3] =	sbarrier.arrive $0xFFFF;
	s2 =	simm.s32 @!p0 $0x1C05  }
0x9a: {  	[timem:s3], [sflag:s2] =	dma.local @!p0 [hbm:s0], s1  }
0x9b: {  	s0 =	simm.s32 @!p0 $0x5  }
0x9c: {  	_ =	swait.ge @!p0 [sflag:s0], s1  }
0x9d: {  	s1 =	ssub.s32 @!p0 $0x0, s1;
	[sflag:s0] =	ssyncset.done @!p0 $0x0  }
0x9e: {  	[sflag:s0] =	ssyncadd.s32 @!p0 s1  }
0x9f: {  	[bflag:$0x3] =	sbarrier.arrive $0xFFFF  }
0xa0: {  	_ =	shalt  }

// kernel: kernel.9.cloned.1.call-start
scs
__scs_entry_jumppad:
0x0: {  	(pc) =	sbr.rel $0x88, $3  }
0x1: {  	(tag) =	ssettag $0x0;
	lr =	simm.s32 $0x1  }
0x2: {  	[smem:$0x3F86] =	sst lr;
	_ =	strace $0xD0000000  }
0x3: {  	_ = 	snop  }
0x4: {  	_ = 	snop  }
0x5: {  	_ = 	snop  }
0x6: {  	_ = 	snop  }
0x7: {  	_ = 	snop  }
__scs_overlays_trampoline_lowered:
0x8: {  	[smem:$0x3F95] =	sst s0  }
0x9: {  	[smem:$0x3F96] =	sst s1  }
0xa: {  	[smem:$0x3F97] =	sst s2  }
0xb: {  	[smem:$0x3F98] =	sst s3  }
0xc: {  	[smem:$0x3F99] =	sst s4  }
0xd: {  	[smem:$0x3F9A] =	sst s5  }
0xe: {  	[smem:$0x3F9B] =	sst s6  }
0xf: {  	[smem:$0x3F9C] =	sst s7  }
0x10: {  	[smem:$0x3F9D] =	sst s8  }
0x11: {  	[smem:$0x3F9E] =	sst s9;
	s0 =	simm.s32 @!p0 $0x0  }
0x12: {  	s1 =	sld [smem:$0x3F84];
	s0 =	simm.s32 @p0 $0x1  }
0x13: {  	[smem:$0x3F9F] =	sst s0;
	s0 =	simm.s32 @!p1 $0x0  }
0x14: {  	s2 =	sld [smem:$0x3F83];
	s0 =	simm.s32 @p1 $0x1  }
0x15: {  	[smem:$0x3FA0] =	sst s0;
	s0 =	simm.s32 @!p2 $0x0  }
0x16: {  	s3 =	sld [smem:$0x3FDB];
	s0 =	simm.s32 @p2 $0x1  }
0x17: {  	s4 =	simm.s32 $0x1BF5;
	[smem:$0x3FA2] =	sst s0  }
0x18: {  	s0 =	sld [smem:$0x3F85];
	_ =	swait.ge [sflag:s4], $0x0  }
0x19: {  	s7 =	sld [smem:$0x3F86]  }
0x1a: {  	s8 =	sadd.s32 $0xFFFFE003, lr  }
0x1b: {  	s9 =	sadd.s32 $0xFFFFFEF7, lr;
	s5 =	simm.s32 $0xFFFFFFFF;
	p2 =	slt.u32 s8, $0xFFFFF086  }
0x1c: {  	p1 =	slt.u32 s9, $0xF7A;
	s5 =	simm.s32 @!p2 $0x0  }
0x1d: {  	s5 =	simm.s32 @p1 $0x1;
	p0 =	seq.s32 s7, s2  }
0x1e: {  	s7 =	smul.u32 @!p0 $0xF7A, s2;
	p2 =	seq.s32 @!p0 s5, $0x0  }
0x1f: {  	s9 =	smul.u32 $0xF7A, s1;
	s8 =	simm.s32 @!p0 $0x1BF5;
	p2 =	por !p2, p0  }
0x20: {  	[sflag:s8] =	ssyncset.s32 @!p0 $0xFFFFF086;
	s6 =	sadd.s32 @!p0 s3, s7;
	s7 =	simm.s32 @!p0 $0x108  }
0x21: {  	s3 =	sadd.s32 s3, s9;
	s6 =	sadd.s32 @!p0 $0x88, s6;
	s7 =	simm.s32 @p2 $0x1082  }
0x22: {  	[simem:s7], [sflag:s8] =	dma.local @!p0 [hbm:s6], $0xF7A  }
0x23: {  	s9 =	sor.u32 $0xD0000000, s2;
	s6 =	simm.s32 $0x108;
	_ =	swait.ge @!p0 [sflag:s8], $0x0  }
0x24: {  	s3 =	sadd.s32 $0x88, s3;
	s6 =	simm.s32 @!p1 $0x1082;
	[sflag:s4] =	ssyncset.s32 $0xFFFFF086  }
0x25: {  	[simem:s6], [sflag:s4] =	dma.local [hbm:s3], $0xF7A  }
0x26: {  	[smem:$0x3F86] =	sst s1;
	(tag) =	ssettag s2;
	_ =	strace s9  }
0x27: {  	s1 =	sld [smem:$0x3F96]  }
0x28: {  	s2 =	sld [smem:$0x3F97]  }
0x29: {  	s4 =	sld [smem:$0x3F99]  }
0x2a: {  	p0 =	seq.s32 s5, $0x0;
	s5 =	sld [smem:$0x3F9A]  }
0x2b: {  	s6 =	sld [smem:$0x3F9B]  }
0x2c: {  	s7 =	sld [smem:$0x3F9C]  }
0x2d: {  	s3 =	simm.s32 $0x108;
	s8 =	sld [smem:$0x3F9D]  }
0x2e: {  	s3 =	simm.s32 @!p0 $0x1082;
	s9 =	sld [smem:$0x3F9E]  }
0x2f: {  	lr =	sadd.s32 s0, s3;
	s0 =	sld [smem:$0x3F95]  }
0x30: {  	s3 =	sld [smem:$0x3F98]  }
0x31: {  	[smem:$0x3FA1] =	sst s10  }
0x32: {  	s10 =	sld [smem:$0x3F9F];
	_ =	sdelay $0x3  }
0x33: {  	p0 =	seq.s32 s10, $0x1;
	s10 =	sld [smem:$0x3FA1];
	_ =	sdelay $0x3  }
0x34: {  	[smem:$0x3FA1] =	sst s10  }
0x35: {  	s10 =	sld [smem:$0x3FA0];
	_ =	sdelay $0x3  }
0x36: {  	p1 =	seq.s32 s10, $0x1;
	s10 =	sld [smem:$0x3FA1];
	_ =	sdelay $0x3  }
0x37: {  	[smem:$0x3FA1] =	sst s10  }
0x38: {  	s10 =	sld [smem:$0x3FA2]  }
0x39: {  	_ = 	snop;
	(pc) =	sbr.ind lr, $3  }
0x3a: {  	_ = 	snop  }
0x3b: {  	_ = 	snop  }
0x3c: {  	p2 =	seq.s32 s10, $0x1;
	s10 =	sld [smem:$0x3FA1]  }
0x3d: {  	_ =	shalt  }
0x3e: {  	_ =	shalt  }
0x3f: {  	_ =	shalt  }
0x40: {  	_ =	shalt  }
0x41: {  	_ =	shalt  }
0x42: {  	_ =	shalt  }
0x43: {  	_ =	shalt  }
0x44: {  	_ =	shalt  }
0x45: {  	_ =	shalt  }
0x46: {  	_ =	shalt  }
0x47: {  	_ =	shalt  }
0x48: {  	_ =	shalt  }
0x49: {  	_ =	shalt  }
0x4a: {  	_ =	shalt  }
0x4b: {  	_ =	shalt  }
0x4c: {  	_ =	shalt  }
0x4d: {  	_ =	shalt  }
0x4e: {  	_ =	shalt  }
0x4f: {  	_ =	shalt  }
0x50: {  	_ =	shalt  }
0x51: {  	_ =	shalt  }
0x52: {  	_ =	shalt  }
0x53: {  	_ =	shalt  }
0x54: {  	_ =	shalt  }
0x55: {  	_ =	shalt  }
0x56: {  	_ =	shalt  }
0x57: {  	_ =	shalt  }
0x58: {  	_ =	shalt  }
0x59: {  	_ =	shalt  }
0x5a: {  	_ =	shalt  }
0x5b: {  	_ =	shalt  }
0x5c: {  	_ =	shalt  }
0x5d: {  	_ =	shalt  }
0x5e: {  	_ =	shalt  }
0x5f: {  	_ =	shalt  }
0x60: {  	_ =	shalt  }
0x61: {  	_ =	shalt  }
0x62: {  	_ =	shalt  }
0x63: {  	_ =	shalt  }
0x64: {  	_ =	shalt  }
0x65: {  	_ =	shalt  }
0x66: {  	_ =	shalt  }
0x67: {  	_ =	shalt  }
0x68: {  	_ =	shalt  }
0x69: {  	_ =	shalt  }
0x6a: {  	_ =	shalt  }
0x6b: {  	_ =	shalt  }
0x6c: {  	_ =	shalt  }
0x6d: {  	_ =	shalt  }
0x6e: {  	_ =	shalt  }
0x6f: {  	_ =	shalt  }
0x70: {  	_ =	shalt  }
0x71: {  	_ =	shalt  }
0x72: {  	_ =	shalt  }
0x73: {  	_ =	shalt  }
0x74: {  	_ =	shalt  }
0x75: {  	_ =	shalt  }
0x76: {  	_ =	shalt  }
0x77: {  	_ =	shalt  }
0x78: {  	_ =	shalt  }
0x79: {  	_ =	shalt  }
0x7a: {  	_ =	shalt  }
0x7b: {  	_ =	shalt  }
0x7c: {  	_ =	shalt  }
0x7d: {  	_ =	shalt  }
0x7e: {  	_ =	shalt  }
0x7f: {  	_ =	shalt  }
0x80: {  	_ =	shalt  }
0x81: {  	_ =	shalt  }
0x82: {  	_ =	shalt  }
0x83: {  	_ =	shalt  }
0x84: {  	_ =	shalt  }
0x85: {  	_ =	shalt  }
0x86: {  	_ =	shalt  }
0x87: {  	_ =	shalt  }
.Lfunc_end0:
.L_simem_size_0:
called_computation_lowered:
.L_overlay_start_0:
0x88: {  	s2 =	sld [smem:$0x3FD9]  }
0x89: {  	s3 =	sld [smem:$0x3FFE];
	_ =	sdelay $0x1  }
0x8a: {  	s1 =	srdreg.scid  }
0x8b: {  	s0 =	sand.u32 $0x1, s1  }
0x8c: {  	s17 =	sshll.u32 s0, $0xA;
	s2 =	sadd.s32 s3, s2  }
0x8d: {  	s2 =	sadd.s32 s2, s17  }
0x8e: {  	[smem:$0x3FAD] =	sst s2  }
0x8f: {  	_ = 	snop  }
0x90: {  	s2 =	sld [smem:$0x3FD0];
	(tm) =	ssettm $0x1  }
0x91: {  	s18 =	sld [smem:$0x3FFB];
	_ =	sdelay $0x3  }
0x92: {  	_ =	strace s18  }
0x93: {  	s3 =	sld [smem:$0x3FFC];
	_ =	sdelay $0x3  }
0x94: {  	_ =	strace s3  }
0x95: {  	s3 =	sld [smem:$0x3FFD];
	_ =	sdelay $0x3  }
0x96: {  	_ =	strace s3  }
0x97: {  	_ =	strace $0x8FFFFFFF  }
0x98: {  	s19 =	sld [smem:$0x3FDB];
	_ =	sdelay $0x1  }
0x99: {  	s4 =	simm.s32 $_scs_section_size  }
0x9a: {  	s5 =	simm.s32 $_size__tile_overlayer_lowered;
	s6 =	simm.s32 $_tile_overlayer_lowered  }
0x9b: {  	s22 =	simm.s32 $0x1BFF;
	s21 =	sshll.u32 s6, $0x1;
	s3 =	sadd.s32 s4, s19  }
0x9c: {  	s7 =	simm.s32 $0x0;
	s20 =	sshll.u32 s5, $0x1;
	s5 =	sadd.s32 s21, s3  }
0x9d: {  	[timem:s7], [sflag:s22] =	dma.local [hbm:s5], s20  }
0x9e: {  	_ =	swait.ge [sflag:s22], s20  }
0x9f: {  	s4 =	ssub.s32 $0x0, s20;
	[sflag:s22] =	ssyncset.done $0x0  }
0xa0: {  	[sflag:s22] =	ssyncadd.s32 s4;
	_ =	sdelay $0x1  }
0xa1: {  	s23 =	simm.s32 $0x1B8B  }
0xa2: {  	_ =	swait.ge [sflag:s23], $0x1  }
0xa3: {  	[sflag:s23] =	ssyncset.done $0x0  }
0xa4: {  	s25 =	simm.s32 $0x1B8E;
	s24 =	sld [smem:$0x3FFE];
	[sflag:s23] =	ssyncadd.s32 $0xFFFFFFFF  }
0xa5: {  	s26 =	simm.s32 $execute0_lowered;
	[smem:$0x3FD2] =	sst s25  }
0xa6: {  	s5 =	sshll.u32 s26, $0x1;
	_ =	strace $0x80000046;
	[dreg:$0x1] =	wrdreg $0xFFFFFFFF  }
0xa7: {  	s28 =	simm.s32 $_size_execute0_lowered;
	s3 =	sadd.s32 s3, s5;
	[dreg:$0x0] =	wrdreg $0x0  }
0xa8: {  	s5 =	sshll.u32 s28, $0x1;
	[dreg:$0x2] =	wrdreg s3  }
0xa9: {  	[dreg:$0x3] =	wrdreg s5  }
0xaa: {  	[dreg:$0x4] =	wrdreg $0xC0  }
0xab: {  	_ =	task [dreg:s7], $0x5FFFF  }
0xac: {  	[dreg:$0x1] =	wrdreg $0xFFFFFFFF  }
0xad: {  	[dreg:$0x0] =	wrdreg $0x60  }
0xae: {  	[dreg:$0x2] =	wrdreg s2  }
0xaf: {  	[dreg:$0x3] =	wrdreg s24  }
0xb0: {  	[dreg:$0x4] =	wrdreg $0xA9000  }
0xb1: {  	[dreg:$0x5] =	wrdreg $0x9  }
0xb2: {  	_ =	task.clear_ibuf [dreg:s7], $0x6FFFF;
	_ =	strace $0x90000046  }
0xb3: {  	s29 =	simm.s32 $0x9;
	_ =	strace $0x80000048  }
0xb4: {  	_ =	swait.ge [sflag:s29], $0x1  }
0xb5: {  	[sflag:s29] =	ssyncadd.s32 $0xFFFFFFFF  }
0xb6: {  	_ =	strace $0x90000048  }
0xb7: {  	_ =	sfence  }
0xb8: {  	s30 =	sld [smem:$0x0];
	_ =	sdelay $0x2  }
0xb9: {  	s31 =	sshll.u32 s1, $0xD;
	s1 =	sshrl.u32 s1, $0x2  }
0xba: {  	s3 =	sand.u32 $0x4000, s31;
	s1 =	sadd.s32 s1, s30  }
0xbb: {  	s0 =	sor.u32 s3, s0;
	s1 =	sshll.u32 s1, $0x11  }
0xbc: {  	s0 =	sor.u32 s1, s0  }
0xbd: {  	s0 =	sadd.s32 $0x8F2B, s0  }
0xbe: {  	[sflag:s0] =	ssyncadd.remote.s32 $0x1  }
0xbf: {  	_ =	sfence.sel $0xFFFF  }
0xc0: {  	[dreg:$0x0] =	wrdreg $0xFFFFFFFF;
	(pc) =	sbr.abs _section_cstart, $3  }
0xc1: {  	[dreg:$0x1] =	wrdreg $0xFFFFFFFF  }
0xc2: {  	_ =	task.clear_ibuf [dreg:s7], $0x2FFFF;
	_ =	strace $0x9FFFFFFF  }
0xc3: {  	(tm) =	ssettm $0x7FFFFFFF  }
tec
execute0_lowered:
.L_overlay_start_1:
0x0: {  	(tag) =	ssettag $0x1  }
0x1: {  	s0 =	rddreg [dreg:$0x0]  }
0x2: {  	s2 =	rddreg [dreg:$0x1]  }
0x3: {  	s1 =	srdreg.scid;
	s3 =	rddreg [dreg:$0x2]  }
0x4: {  	s17 =	stileid.u32;
	s4 =	simm.s32 $0x0;
	s28 =	simm.s32 $0x3  }
0x5: {  	s29 =	simm.s32 $0x2;
	s30 =	simm.s32 $0x4;
	s31 =	simm.s32 $0x0  }
0x6: {  	s1 =	sand.u32 $0x1, s1;
	[smem:$0x7FF] =	sst s4;
	s6 =	smul.u32 $0x2700, s17  }
0x7: {  	s8 =	smul.u32 $0x4E000, s17;
	s16 =	sadd.s32 $0x10C00, s2;
	s23 =	sadd.s32 $0x66700, s2  }
0x8: {  	s15 =	smul.u32 $0x2800, s17;
	s12 =	sadd.s32 $0x8D900, s2;
	p0 =	seq.s32 s17, $0xF  }
0x9: {  	s5 =	sshll.u32 s1, $0x4;
	_ =	strace $0x80000047;
	s7 =	ssub.s32 $0x2, s1  }
0xa: {  	s13 =	smul.u32 $0x28000, s1;
	[dreg:$0x5] =	wrdreg s23;
	p4 =	seq.s32 s1, $0x1  }
0xb: {  	s23 =	simm.s32 $0x2800;
	s5 =	sor.u32 s17, s5;
	s20 =	sshrl.u32 s7, $0x1  }
0xc: {  	s6 =	sadd.s32 s6, s2;
	s21 =	sshrl.u32 s8, $0x2;
	p1 =	por !p4, !p0  }
0xd: {  	p2 =	por p4, !p0;
	p3 =	por !p4, p0;
	p4 =	por p4, p0  }
0xe: {  	s5 =	smul.u32 $0x2800, s5;
	s14 =	ssub.s32 s7, s20;
	s22 =	sadd.s32 $0x41E00, s6  }
0xf: {  	s7 =	sadd.s32 $0x124800, s3;
	s10 =	sadd.s32 $0x69000, s6;
	s11 =	sadd.s32 $0x90200, s6  }
0x10: {  	s25 =	sadd.s32 s15, s13;
	s13 =	sadd.s32 $0xB4B00, s2;
	s20 =	simm.s32 $0x5  }
0x11: {  	[dreg:$0x4] =	wrdreg s22;
	s14 =	smax.u32 s14, $0x1;
	s26 =	sor.u32 $0x80, s25  }
0x12: {  	s1 =	sshrl.u32 s25, $0x3;
	s22 =	simm.s32 $0x2900;
	s5 =	sshrl.u32 s5, $0x3  }
0x13: {  	s25 =	simm.s32 $0x2880;
	s9 =	sadd.s32 s5, s2;
	s5 =	sadd.s32 s21, s3  }
0x14: {  	s2 =	sshrl.u32 s26, $0x3;
	s21 =	simm.s32 $0x80;
	s26 =	simm.s32 $0x1  }
0x15: {  	s24 =	sadd.s32 $0x6C00, s9;
	s15 =	sadd.s32 s2, s16;
	s16 =	sadd.s32 s1, s16  }
0x16: {  	s1 =	sshll.u32 @!p0 s17, $0x6;
	s17 =	sshrl.u32 @p0 s7, $0x3;
	s19 =	sshrl.u32 @!p0 s5, $0x3  }
0x17: {  	[dreg:$0x6] =	wrdreg s24;
	s18 =	sor.u32 @!p0 $0x1C05, s1;
	s24 =	simm.s32 $0x6900  }
.LBB2_1:
0x18: {  	s1 =	simm.s32 @p0 $0x1FC5;
	s2 =	rddreg [dreg:$0x5]  }
0x19: {  	[spmem:s17], [sflag:s1] =	dma.local @p0 [hbm:s2], $0x2800  }
0x1a: {  	s1 =	simm.s32 @p0 $0x5  }
0x1b: {  	_ =	swait.ge @p0 [sflag:s1], $0x2800  }
0x1c: {  	[sflag:s1] =	ssyncset.done @p0 $0x0  }
0x1d: {  	[sflag:s1] =	ssyncadd.s32 @p0 $0xFFFFD800;
	s1 =	rddreg [dreg:$0x4]  }
0x1e: {  	[spmem:s19], [sflag:s18] =	dma.local @!p0 [hbm:s1], $0x2700  }
0x1f: {  	s1 =	simm.s32 @!p0 $0x5  }
0x20: {  	_ =	swait.ge @!p0 [sflag:s1], $0x2700  }
0x21: {  	[sflag:s1] =	ssyncset.done @!p0 $0x0  }
0x22: {  	s2 =	rddreg [dreg:$0x6];
	[sflag:s1] =	ssyncadd.s32 @!p0 $0xFFFFD900  }
0x23: {  	[tilespmem:s4], [sflag:$0x5] =	stream.linear.gather [hbm4b:s2+s4], $0x2800, $0x38;
	[tilespmem:$0x1E200] =	vst v63  }
0x24: {  	_ =	swait.ge [sflag:s20], $0x2800  }
0x25: {  	[sflag:s20] =	ssyncset.done $0x0  }
0x26: {  	[sflag:s20] =	ssyncadd.s32 $0xFFFFD800  }
0x27: {  	s6 =	simm.s32 $0x0;
	[bflag:$0x0] =	sbarrier.arrive $0xFFFF  }
0x28: {  	[tilespmem:s22], [sflag:$0x1] =	stream.indirect.gather [hbm4b:s0+s21], $0x80, s6, s21, $0xb8;
	[tilespmem:$0x1E200] =	vst v63  }
0x29: {  	s8 =	sadd.s32 $0x0, s16  }
0x2a: {  	[tilespmem:s23], [sflag:$0x3] =	stream.linear.gather [hbm4b:s8+s4], $0x80, $0x38;
	[tilespmem:$0x1E200] =	vst v63  }
0x2b: {  	_ = 	snop  }
0x2c: {  	[tilespmem:s24], [sflag:$0x2] =	stream.indirect.gather [hbm4b:s0+s21], $0x80, s21, s21, $0xb8;
	[tilespmem:$0x1E200] =	vst v63  }
0x2d: {  	s9 =	sadd.s32 $0x0, s15  }
0x2e: {  	[tilespmem:s25], [sflag:$0x4] =	stream.linear.gather [hbm4b:s9+s4], $0x80, $0x38;
	[tilespmem:$0x1E200] =	vst v63  }
0x2f: {  	_ =	swait.ge [sflag:s26], $0x4000  }
0x30: {  	[sflag:s26] =	ssyncset.done $0x0  }
0x31: {  	[sflag:s26] =	ssyncadd.s32 $0xFFFFC000  }
0x32: {  	_ =	swait.ge [sflag:s28], $0x80  }
0x33: {  	[sflag:s28] =	ssyncset.done $0x0  }
0x34: {  	[sflag:s28] =	ssyncadd.s32 $0xFFFFFF80  }
0x35: {  	[spmem:s3] =	stream.indirect.scatter.add.f32 [tilespmem:s22], [sflag:$0x5], $0x80, s23, s21, $0xb8;
	[tilespmem:$0x1E200] =	vst v63  }
0x36: {  	_ =	swait.ge [sflag:s20], $0x4000  }
0x37: {  	[sflag:s20] =	ssyncset.done $0x0  }
0x38: {  	[sflag:s20] =	ssyncadd.s32 $0xFFFFC000  }
0x39: {  	_ =	swait.ge [sflag:s29], $0x4000  }
0x3a: {  	[sflag:s29] =	ssyncset.done $0x0  }
0x3b: {  	[sflag:s29] =	ssyncadd.s32 $0xFFFFC000  }
0x3c: {  	_ =	swait.ge [sflag:s30], $0x80  }
0x3d: {  	[sflag:s30] =	ssyncset.done $0x0  }
0x3e: {  	[sflag:s30] =	ssyncadd.s32 $0xFFFFFF80  }
0x3f: {  	[spmem:s3] =	stream.indirect.scatter.add.f32 [tilespmem:s24], [sflag:$0x5], $0x80, s25, s21, $0xb8;
	[tilespmem:$0x1E200] =	vst v63  }
0x40: {  	s1 =	simm.s32 $0x20;
	_ =	swait.ge [sflag:s20], $0x4000  }
0x41: {  	s2 =	simm.s32 $0x180;
	s6 =	simm.s32 $0x40;
	[sflag:s20] =	ssyncset.done $0x0  }
.LBB2_2:
0x42: {  	p5 =	sne.s32 s6, $0x4E0;
	s8 =	sadd.s32 $0xFFFFFF80, s2;
	[sflag:s20] =	ssyncadd.s32 $0xFFFFC000  }
0x43: {  	[tilespmem:s22], [sflag:$0x1] =	stream.indirect.gather [hbm4b:s0+s21], $0x80, s8, s21, $0xb8;
	[tilespmem:$0x1E200] =	vst v63  }
0x44: {  	s9 =	smov.u32 s6;
	s6 =	sadd.s32 $0x20, s6;
	s8 =	sadd.s32 s1, s16  }
0x45: {  	[tilespmem:s23], [sflag:$0x3] =	stream.linear.gather [hbm4b:s8+s4], $0x80, $0x38;
	[tilespmem:$0x1E200] =	vst v63  }
0x46: {  	_ = 	snop  }
0x47: {  	[tilespmem:s24], [sflag:$0x2] =	stream.indirect.gather [hbm4b:s0+s21], $0x80, s2, s21, $0xb8;
	[tilespmem:$0x1E200] =	vst v63  }
0x48: {  	s8 =	sadd.s32 s1, s15;
	s1 =	smov.u32 s9  }
0x49: {  	[tilespmem:s25], [sflag:$0x4] =	stream.linear.gather [hbm4b:s8+s4], $0x80, $0x38;
	[tilespmem:$0x1E200] =	vst v63  }
0x4a: {  	_ =	swait.ge [sflag:s26], $0x4000  }
0x4b: {  	[sflag:s26] =	ssyncset.done $0x0  }
0x4c: {  	[sflag:s26] =	ssyncadd.s32 $0xFFFFC000  }
0x4d: {  	_ =	swait.ge [sflag:s28], $0x80  }
0x4e: {  	[sflag:s28] =	ssyncset.done $0x0  }
0x4f: {  	[sflag:s28] =	ssyncadd.s32 $0xFFFFFF80  }
0x50: {  	[spmem:s3] =	stream.indirect.scatter.add.f32 [tilespmem:s22], [sflag:$0x5], $0x80, s23, s21, $0xb8;
	[tilespmem:$0x1E200] =	vst v63  }
0x51: {  	_ =	swait.ge [sflag:s20], $0x4000  }
0x52: {  	[sflag:s20] =	ssyncset.done $0x0  }
0x53: {  	[sflag:s20] =	ssyncadd.s32 $0xFFFFC000  }
0x54: {  	_ =	swait.ge [sflag:s29], $0x4000  }
0x55: {  	[sflag:s29] =	ssyncset.done $0x0  }
0x56: {  	[sflag:s29] =	ssyncadd.s32 $0xFFFFC000  }
0x57: {  	_ =	swait.ge [sflag:s30], $0x80  }
.Ltmp0:
0x58: {  	[sflag:s30] =	ssyncset.done $0x0;
	(pc) =	sbr.rel @p5 .LBB2_2-.Ltmp0, $4  }
0x59: {  	[sflag:s30] =	ssyncadd.s32 $0xFFFFFF80  }
0x5a: {  	[spmem:s3] =	stream.indirect.scatter.add.f32 [tilespmem:s24], [sflag:$0x5], $0x80, s25, s21, $0xb8;
	[tilespmem:$0x1E200] =	vst v63  }
0x5b: {  	_ =	swait.ge [sflag:s20], $0x4000  }
0x5c: {  	s2 =	sadd.s32 $0x100, s2;
	[sflag:s20] =	ssyncset.done $0x0  }
0x5d: {  	s6 =	sadd.s32 $0xFFFFFF80, s2;
	[sflag:s20] =	ssyncadd.s32 $0xFFFFC000  }
0x5e: {  	[tilespmem:s22], [sflag:$0x1] =	stream.indirect.gather [hbm4b:s0+s21], $0x80, s6, s21, $0xb8;
	[tilespmem:$0x1E200] =	vst v63  }
0x5f: {  	s8 =	sadd.s32 s1, s16  }
0x60: {  	[tilespmem:s23], [sflag:$0x3] =	stream.linear.gather [hbm4b:s8+s4], $0x80, $0x38;
	[tilespmem:$0x1E200] =	vst v63  }
0x61: {  	_ = 	snop  }
0x62: {  	[tilespmem:s24], [sflag:$0x2] =	stream.indirect.gather [hbm4b:s0+s21], $0x80, s2, s21, $0xb8;
	[tilespmem:$0x1E200] =	vst v63  }
0x63: {  	s9 =	sadd.s32 s1, s15  }
0x64: {  	[tilespmem:s25], [sflag:$0x4] =	stream.linear.gather [hbm4b:s9+s4], $0x80, $0x38;
	[tilespmem:$0x1E200] =	vst v63  }
0x65: {  	_ =	swait.ge [sflag:s26], $0x4000  }
0x66: {  	[sflag:s26] =	ssyncset.done $0x0  }
0x67: {  	[sflag:s26] =	ssyncadd.s32 $0xFFFFC000  }
0x68: {  	_ =	swait.ge [sflag:s28], $0x80  }
0x69: {  	[sflag:s28] =	ssyncset.done $0x0  }
0x6a: {  	[sflag:s28] =	ssyncadd.s32 $0xFFFFFF80  }
0x6b: {  	[spmem:s3] =	stream.indirect.scatter.add.f32 [tilespmem:s22], [sflag:$0x5], $0x80, s23, s21, $0xb8;
	[tilespmem:$0x1E200] =	vst v63  }
0x6c: {  	_ =	swait.ge [sflag:s20], $0x4000  }
0x6d: {  	[sflag:s20] =	ssyncset.done $0x0  }
0x6e: {  	[sflag:s20] =	ssyncadd.s32 $0xFFFFC000  }
0x6f: {  	_ =	swait.ge [sflag:s29], $0x4000  }
0x70: {  	[sflag:s29] =	ssyncset.done $0x0  }
0x71: {  	[sflag:s29] =	ssyncadd.s32 $0xFFFFC000  }
0x72: {  	_ =	swait.ge [sflag:s30], $0x80  }
0x73: {  	[sflag:s30] =	ssyncset.done $0x0  }
0x74: {  	[sflag:s30] =	ssyncadd.s32 $0xFFFFFF80  }
0x75: {  	[spmem:s3] =	stream.indirect.scatter.add.f32 [tilespmem:s24], [sflag:$0x5], $0x80, s25, s21, $0xb8;
	[tilespmem:$0x1E200] =	vst v63  }
0x76: {  	_ =	swait.ge [sflag:s20], $0x4000  }
0x77: {  	[sflag:s20] =	ssyncset.done $0x0  }
0x78: {  	[sflag:s20] =	ssyncadd.s32 $0xFFFFC000  }
0x79: {  	s1 =	sshrl.u32 @!p1 s7, $0x3;
	s2 =	simm.s32 @!p1 $0x1FC5;
	[bflag:$0x0] =	sbarrier.arrive $0xFFFF  }
0x7a: {  	[hbm:s13], [sflag:s2] =	dma.local @!p1 [spmem:s1], $0x2800  }
0x7b: {  	s1 =	simm.s32 @!p1 $0x5  }
0x7c: {  	_ =	swait.ge @!p1 [sflag:s1], $0x2800  }
0x7d: {  	[sflag:s1] =	ssyncset.done @!p1 $0x0  }
0x7e: {  	s2 =	simm.s32 @!p2 $0x1FC5;
	[sflag:s1] =	ssyncadd.s32 @!p1 $0xFFFFD800;
	s1 =	sshrl.u32 @!p2 s7, $0x3  }
0x7f: {  	[hbm:s12], [sflag:s2] =	dma.local @!p2 [spmem:s1], $0x2800  }
0x80: {  	s1 =	simm.s32 @!p2 $0x5  }
0x81: {  	s8 =	stileid.u32;
	_ =	swait.ge @!p2 [sflag:s1], $0x2800  }
0x82: {  	s2 =	sshll.u32 @!p3 s8, $0x6;
	[sflag:s1] =	ssyncset.done @!p2 $0x0  }
0x83: {  	[sflag:s1] =	ssyncadd.s32 @!p2 $0xFFFFD800;
	s1 =	sor.u32 @!p3 $0x1C05, s2;
	s2 =	sshrl.u32 @!p3 s5, $0x3  }
0x84: {  	[hbm:s11], [sflag:s1] =	dma.local @!p3 [spmem:s2], $0x2700  }
0x85: {  	s1 =	simm.s32 @!p3 $0x5  }
0x86: {  	s31 =	sadd.s32 $0x1, s31;
	_ =	swait.ge @!p3 [sflag:s1], $0x2700  }
0x87: {  	p5 =	sne.s32 s31, s14;
	s2 =	sshll.u32 @!p4 s8, $0x6;
	[sflag:s1] =	ssyncset.done @!p3 $0x0  }
0x88: {  	[sflag:s1] =	ssyncadd.s32 @!p3 $0xFFFFD900;
	s1 =	sor.u32 @!p4 $0x1C05, s2;
	s2 =	sshrl.u32 @!p4 s5, $0x3  }
0x89: {  	[hbm:s10], [sflag:s1] =	dma.local @!p4 [spmem:s2], $0x2700  }
.Ltmp1:
0x8a: {  	_ = 	snop;
	(pc) =	sbr.rel @p5 .LBB2_1-.Ltmp1, $4  }
0x8b: {  	s1 =	simm.s32 @!p4 $0x5  }
0x8c: {  	_ =	swait.ge @!p4 [sflag:s1], $0x2700  }
0x8d: {  	[sflag:s1] =	ssyncset.done @!p4 $0x0  }
0x8e: {  	s6 =	stileid.u32;
	[sflag:s1] =	ssyncadd.s32 @!p4 $0xFFFFD900  }
0x8f: {  	_ =	sfence.sel $0x180000  }
0x90: {  	[bflag:$0x0] =	sbarrier.arrive $0xFFFF  }
0x91: {  	_ =	strace $0x90000047  }
0x92: {  	[bflag:$0x2] =	sbarrier.arrive $0xFFFF  }
0x93: {  	p0 =	sne.s32 s6, $0x0;
	s0 =	rddreg [dreg:$0x3]  }
0x94: {  	s0 =	sadd.s32 @!p0 $0x100000, s0  }
0x95: {  	[sflag:s0] =	ssyncadd.tile.s32 @!p0 $0x1;
	_ =	shalt  }
.Lfunc_end2:
_tile_overlayer_lowered:
.L_overlay_start_2:
0x96: {  	(tag) =	ssettag $0x2  }
0x97: {  	s0 =	rddreg [dreg:$0x0];
	s2 =	stileid.u32  }
0x98: {  	s1 =	rddreg [dreg:$0x1];
	p0 =	sne.s32 s2, $0x0  }
0x99: {  	s3 =	rddreg [dreg:$0x2];
	[bflag:$0x3] =	sbarrier.arrive $0xFFFF;
	s2 =	simm.s32 @!p0 $0x1C05  }
0x9a: {  	[timem:s3], [sflag:s2] =	dma.local @!p0 [hbm:s0], s1  }
0x9b: {  	s0 =	simm.s32 @!p0 $0x5  }
0x9c: {  	_ =	swait.ge @!p0 [sflag:s0], s1  }
0x9d: {  	s1 =	ssub.s32 @!p0 $0x0, s1;
	[sflag:s0] =	ssyncset.done @!p0 $0x0  }
0x9e: {  	[sflag:s0] =	ssyncadd.s32 @!p0 s1  }
0x9f: {  	[bflag:$0x3] =	sbarrier.arrive $0xFFFF  }
0xa0: {  	_ =	shalt  }

</sc_bundles>
